<compile_context>
chip_gen: v7x
topology: tpu7x:2x2x1
jax: 0.10.2.dev20260603
libtpu: 0.0.44.dev20260713+nightly
codegen_flags: <defaults>
</compile_context>

<pallas_src>
import functools

import jax
import jax.numpy as jnp
from jax import lax
from jax.experimental import pallas as pl
from jax.experimental.pallas import tpu as pltpu
from jax.experimental.pallas import tpu_sc as plsc

_NC = 2
_NS = 16
_NW = _NC * _NS
_DEGW = 16
_PADN = 16


def _make_seg_sum(N, E, D, with_deg):
  C = 128
  NCHUNK = -(-E // (_NW * C))
  NCHUNK += NCHUNK % 2
  EP = _NW * NCHUNK * C
  NP = N + _PADN
  ACCR = -(-NP // (_NS * 8)) * _NS * 8
  RZ = ACCR // _NS
  R0 = N // _NS // 8 * 8 * _NS
  RPT = R0 // _NS
  RLAST = N - 15 * RPT
  assert RZ % 8 == 0 and RPT % 8 == 0 and 15 * RPT + RLAST == N

  out_type = [jax.ShapeDtypeStruct((_NC, N, D), jnp.float32)]
  scratch = [
      pltpu.VMEM((NCHUNK, C), jnp.int32),
      pltpu.VMEM((NCHUNK, C), jnp.int32),
      pltpu.VMEM((C, D), jnp.float32),
      pltpu.VMEM((C, D), jnp.float32),
      pltpu.VMEM((RZ, D), jnp.float32),
      pltpu.VMEM_SHARED((ACCR, D), jnp.float32),
      pltpu.SemaphoreType.DMA,
      pltpu.SemaphoreType.DMA,
      pltpu.SemaphoreType.DMA,
      pltpu.SemaphoreType.DMA,
  ]
  if with_deg:
    out_type.append(jax.ShapeDtypeStruct((_NC, N, _DEGW), jnp.float32))
    scratch += [
        pltpu.VMEM((C, _DEGW), jnp.float32),
        pltpu.VMEM((RZ, _DEGW), jnp.float32),
        pltpu.VMEM_SHARED((ACCR, _DEGW), jnp.float32),
        pltpu.SemaphoreType.DMA,
    ]

  mesh = plsc.VectorSubcoreMesh(core_axis_name="c", subcore_axis_name="s")

  @functools.partial(
      pl.kernel, out_type=tuple(out_type), mesh=mesh,
      scratch_types=tuple(scratch),
      compiler_params=pltpu.CompilerParams(use_tc_tiling_on_sc=False))
  def seg(y_hbm, src_hbm, dst_hbm, *refs):
    if with_deg:
      (agg_out, deg_out, srcv, dstv, rows_a, rows_b, zb, acc, sga, sgb,
       ssa, ssb, ones, zd, dacc, sd) = refs
    else:
      (agg_out, srcv, dstv, rows_a, rows_b, zb, acc, sga, sgb, ssa,
       ssb) = refs
    c = lax.axis_index("c")
    s = lax.axis_index("s")
    wid = c * _NS + s

    pltpu.sync_copy(src_hbm.at[pl.ds(wid * NCHUNK, NCHUNK)], srcv)
    pltpu.sync_copy(dst_hbm.at[pl.ds(wid * NCHUNK, NCHUNK)], dstv)

    def zrow(j, _):
      for t in range(D // 16):
        zb[j, pl.ds(16 * t, 16)] = jnp.zeros((16,), jnp.float32)
      return 0
    lax.fori_loop(0, RZ, zrow, 0)
    if with_deg:
      def onesrow(j, _):
        for t in range(_DEGW // 16):
          ones[j, pl.ds(16 * t, 16)] = jnp.full((16,), 1.0, jnp.float32)
        return 0
      lax.fori_loop(0, C, onesrow, 0)
      def zdrow(j, _):
        for t in range(_DEGW // 16):
          zd[j, pl.ds(16 * t, 16)] = jnp.zeros((16,), jnp.float32)
        return 0
      lax.fori_loop(0, RZ, zdrow, 0)

    pltpu.sync_copy(zb, acc.at[pl.ds(s * RZ, RZ)])
    if with_deg:
      pltpu.sync_copy(zd, dacc.at[pl.ds(s * RZ, RZ)])
    plsc.subcore_barrier()

    def fg(ch, buf, sm):
      pltpu.async_copy(y_hbm.at[srcv.at[ch]], buf, sm)

    def dg(buf, sm):
      pltpu.make_async_copy(y_hbm.at[srcv.at[0]], buf, sm).wait()

    def fs(ch, buf, sm):
      pltpu.async_copy(buf, acc.at[dstv.at[ch]], sm, add=True)

    def ds(buf, sm):
      pltpu.make_async_copy(buf, acc.at[dstv.at[0]], sm).wait()

    def fd(ch):
      pltpu.async_copy(ones, dacc.at[dstv.at[ch]], sd, add=True)

    def dd():
      pltpu.make_async_copy(ones, dacc.at[dstv.at[0]], sd).wait()

    assert NCHUNK % 2 == 0
    fg(0, rows_a, sga)
    fg(1, rows_b, sgb)

    def step(i, _):
      c0 = 2 * i
      dg(rows_a, sga)
      fs(c0, rows_a, ssa)
      dg(rows_b, sgb)
      fs(c0 + 1, rows_b, ssb)
      if with_deg:
        fd(c0)
        fd(c0 + 1)
      ds(rows_a, ssa)
      fg(c0 + 2, rows_a, sga)
      ds(rows_b, ssb)
      fg(c0 + 3, rows_b, sgb)
      if with_deg:
        dd()
        dd()
      return 0
    lax.fori_loop(0, NCHUNK // 2 - 1, step, 0)

    dg(rows_a, sga)
    fs(NCHUNK - 2, rows_a, ssa)
    dg(rows_b, sgb)
    fs(NCHUNK - 1, rows_b, ssb)
    if with_deg:
      fd(NCHUNK - 2)
      fd(NCHUNK - 1)
      dd()
      dd()
    ds(rows_a, ssa)
    ds(rows_b, ssb)
    plsc.subcore_barrier()

    @pl.when(s < _NS - 1)
    def _():
      r = s * RPT
      pltpu.sync_copy(acc.at[pl.ds(r, RPT)], agg_out.at[c, pl.ds(r, RPT)])
      if with_deg:
        pltpu.sync_copy(dacc.at[pl.ds(r, RPT)], deg_out.at[c, pl.ds(r, RPT)])

    @pl.when(s == _NS - 1)
    def _():
      r = (_NS - 1) * RPT
      pltpu.sync_copy(acc.at[pl.ds(r, RLAST)],
                      agg_out.at[c, pl.ds(r, RLAST)])
      if with_deg:
        pltpu.sync_copy(dacc.at[pl.ds(r, RLAST)],
                        deg_out.at[c, pl.ds(r, RLAST)])

  def run(y, src, dst):
    pad = EP - E
    srcp = jnp.concatenate(
        [src, jnp.full((pad,), N, jnp.int32)]).reshape(EP // C, C)
    dstp = jnp.concatenate(
        [dst, jnp.full((pad,), N, jnp.int32)]).reshape(EP // C, C)
    return seg(y, srcp, dstp)

  return run


def _mm_body(x_ref, w_ref, o_ref):
  res = jnp.dot(x_ref[...], w_ref[...], preferred_element_type=jnp.float32)
  o_ref[...] = jnp.concatenate(
      [res, jnp.zeros((_PADN, res.shape[1]), jnp.float32)], axis=0)


def _mid_body(aggp_ref, degp_ref, b1_ref, w2_ref, y2_ref, degi_ref):
  agg = aggp_ref[0] + aggp_ref[1]
  deg = degp_ref[0] + degp_ref[1]
  degi = 1.0 / jnp.maximum(deg, 1.0)
  h = agg * jnp.concatenate([degi, degi], axis=1) + b1_ref[...]
  h = jnp.maximum(h, 0.0)
  y2 = jnp.dot(h, w2_ref[...], preferred_element_type=jnp.float32)
  y2_ref[...] = jnp.concatenate(
      [y2, jnp.zeros((_PADN, y2.shape[1]), jnp.float32)], axis=0)
  degi_ref[...] = degi


def _fin_body(aggp_ref, degi_ref, b2_ref, o_ref):
  agg = aggp_ref[0] + aggp_ref[1]
  res = jnp.maximum(agg * degi_ref[...] + b2_ref[...], 0.0)
  o_ref[...] = res[:, :o_ref.shape[1]]


def kernel(features, edge_index, W1, b1, W2, b2):
  N, _ = features.shape
  E = edge_index.shape[1]
  D_HID = W1.shape[1]
  D_OUT = W2.shape[1]
  src = edge_index[0]
  dst = edge_index[1]

  y1 = pl.pallas_call(
      _mm_body,
      out_shape=jax.ShapeDtypeStruct((N + _PADN, D_HID), jnp.float32),
  )(features, W1)

  aggp, degp = _make_seg_sum(N, E, D_HID, True)(y1, src, dst)

  W2p = jnp.zeros((D_HID, 16), jnp.float32).at[:, :D_OUT].set(W2)
  y2, degi = pl.pallas_call(
      _mid_body,
      out_shape=(jax.ShapeDtypeStruct((N + _PADN, 16), jnp.float32),
                 jax.ShapeDtypeStruct((N, 16), jnp.float32)),
  )(aggp, degp, b1.reshape(1, D_HID), W2p)

  agg2p = _make_seg_sum(N, E, 16, False)(y2, src, dst)
  if isinstance(agg2p, (tuple, list)):
    agg2p = agg2p[0]

  b2p = jnp.zeros((1, 16), jnp.float32).at[0, :D_OUT].set(b2)
  out = pl.pallas_call(
      _fin_body,
      out_shape=jax.ShapeDtypeStruct((N, D_OUT), jnp.float32),
  )(agg2p, degi, b2p)
  return out

# --- scband reference (transcript-rebuilt; emitter-appended) ---
"""Pipeline reference for scband-gcn-dgl-12558484373886 (READ-ONLY COPY).

The authoritative reference and input builder live on the scoring server;
editing this copy changes nothing except your own understanding.
"""

import jax, jax.numpy as jnp
import numpy as np

N = 10000
E = 320000
D_IN = 128
D_HID = 32
D_OUT = 12


def setup_inputs(seed: int = 0) -> dict:
    key = jax.random.key(seed)
    k1, k2, k3, k4, k5, k6 = jax.random.split(key, 6)
    features = jax.random.normal(k1, (N, D_IN), dtype=jnp.float32)
    edge_index = jax.random.randint(k2, (2, E), 0, N, dtype=jnp.int32)
    # Glorot-ish init for layer weights (DGL GraphConv default init)
    W1 = jax.random.normal(k3, (D_IN, D_HID), dtype=jnp.float32) * (1.0 / np.sqrt(D_IN))
    b1 = jnp.zeros((D_HID,), dtype=jnp.float32)
    W2 = jax.random.normal(k4, (D_HID, D_OUT), dtype=jnp.float32) * (1.0 / np.sqrt(D_HID))
    b2 = jnp.zeros((D_OUT,), dtype=jnp.float32)
    return {"features": features, "edge_index": edge_index, "W1": W1, "b1": b1, "W2": W2, "b2": b2}


def _graph_conv_right(x, src, dst, W, b):
    # DGL GraphConv with norm='right': aggregate copy_u sum, then divide by
    # in-degree (clamped to 1, allow_zero_in_degree=True), then linear + relu activation.
    m = jnp.take(x, src, axis=0)                              # gather over source nodes
    agg = jax.ops.segment_sum(m, dst, num_segments=N)         # scatter-add to dst nodes
    deg = jax.ops.segment_sum(jnp.ones((E,), dtype=x.dtype), dst, num_segments=N)
    deg = jnp.maximum(deg, 1.0)
    h = agg / deg[:, None]
    h = h @ W + b
    return jax.nn.relu(h)  # activation=torch.relu inside GraphConv


def reference(features, edge_index, W1, b1, W2, b2):
    src = edge_index[0]
    dst = edge_index[1]
    x = _graph_conv_right(features, src, dst, W1, b1)
    x = jax.nn.relu(x)  # extra F.relu in forward (idempotent after relu activation)
    x = _graph_conv_right(x, src, dst, W2, b2)
    return x

if __name__ == "__main__":
    import jax
    _d = setup_inputs()
    print(jax.jit(kernel)(*tuple(_d.values())))

</pallas_src>

<mosaic_0001>
#map = affine_map<(d0, d1) -> (0, 0)>
#map1 = affine_map<(d0, d1) -> (0, 0, 0)>
module attributes {stable_mosaic.version = 14 : i64} {
  func.func @seg(%arg0: i32, %arg1: i32, %arg2: memref<10016x32xf32, #tpu.memory_space<hbm>>, %arg3: memref<2560x128xi32, #tpu.memory_space<hbm>>, %arg4: memref<2560x128xi32, #tpu.memory_space<hbm>>, %arg5: memref<2x10000x32xf32, #tpu.memory_space<hbm>>, %arg6: memref<2x10000x16xf32, #tpu.memory_space<hbm>>, %arg7: memref<80x128xi32, #tpu.memory_space<vmem>>, %arg8: memref<80x128xi32, #tpu.memory_space<vmem>>, %arg9: memref<128x32xf32, #tpu.memory_space<vmem>>, %arg10: memref<128x32xf32, #tpu.memory_space<vmem>>, %arg11: memref<632x32xf32, #tpu.memory_space<vmem>>, %arg12: memref<10112x32xf32, #tpu.memory_space<vmem_shared>>, %arg13: memref<!tpu.dma_semaphore, #tpu.memory_space<semaphore_mem>>, %arg14: memref<!tpu.dma_semaphore, #tpu.memory_space<semaphore_mem>>, %arg15: memref<!tpu.dma_semaphore, #tpu.memory_space<semaphore_mem>>, %arg16: memref<!tpu.dma_semaphore, #tpu.memory_space<semaphore_mem>>, %arg17: memref<128x16xf32, #tpu.memory_space<vmem>>, %arg18: memref<632x16xf32, #tpu.memory_space<vmem>>, %arg19: memref<10112x16xf32, #tpu.memory_space<vmem_shared>>, %arg20: memref<!tpu.dma_semaphore, #tpu.memory_space<semaphore_mem>>) attributes {dimension_semantics = [#tpu.dimension_semantics<core_parallel>, #tpu.dimension_semantics<subcore_parallel>], iteration_bounds = array<i64: 2, 16>, scalar_prefetch = 0 : i64, scratch_operands = 14 : i64, tpu.core_type = #tpu.core_type<sc_vector_subcore>, window_params = [{transform_indices = #map}, {transform_indices = #map}, {transform_indices = #map}, {transform_indices = #map1}, {transform_indices = #map1}]} {
    %mul3A = arith.constant 16 : i32
    %mul3A_0 = arith.muli %arg0, %mul3A : i32
    %add3A = arith.addi %mul3A_0, %arg1 : i32
    %mul3A_1 = arith.constant 80 : i32
    %mul3A_2 = arith.muli %add3A, %mul3A_1 : i32
    "tpu.region"() ({
      %run_scoped3A = tpu.sem_alloc : memref<!tpu.dma_semaphore, #tpu.memory_space<semaphore_mem>>
      %dma_start3A_125 = arith.constant 0 : i32
      %dma_start3A_126 = tpu.memref_slice %arg3[%mul3A_2, %dma_start3A_125] : memref<2560x128xi32, #tpu.memory_space<hbm>> -> memref<80x128xi32, #tpu.memory_space<hbm>>
      %dma_start3A_127 = arith.constant 0 : i32
      %dma_start3A_128 = tpu.memref_slice %arg3[%mul3A_2, %dma_start3A_127] : memref<2560x128xi32, #tpu.memory_space<hbm>> -> memref<80x128xi32, #tpu.memory_space<hbm>>
      tpu.enqueue_dma source(%dma_start3A_128 : memref<80x128xi32, #tpu.memory_space<hbm>>) target(%arg7 : memref<80x128xi32, #tpu.memory_space<vmem>>) target_semaphore(%run_scoped3A : memref<!tpu.dma_semaphore, #tpu.memory_space<semaphore_mem>>)
      %dma_wait3A_129 = arith.constant 0 : i32
      %dma_wait3A_130 = tpu.memref_slice %arg3[%mul3A_2, %dma_wait3A_129] : memref<2560x128xi32, #tpu.memory_space<hbm>> -> memref<80x128xi32, #tpu.memory_space<hbm>>
      %dma_wait3A_131 = arith.constant 0 : i32
      %dma_wait3A_132 = tpu.memref_slice %arg3[%mul3A_2, %dma_wait3A_131] : memref<2560x128xi32, #tpu.memory_space<hbm>> -> memref<80x128xi32, #tpu.memory_space<hbm>>
      tpu.wait_dma2 semaphore(%run_scoped3A : memref<!tpu.dma_semaphore, #tpu.memory_space<semaphore_mem>>) src(%dma_wait3A_132 : memref<80x128xi32, #tpu.memory_space<hbm>>) dst(%arg7 : memref<80x128xi32, #tpu.memory_space<vmem>>)
      tpu.yield
    }) : () -> ()
    %mul3A_3 = arith.constant 80 : i32
    %mul3A_4 = arith.muli %add3A, %mul3A_3 : i32
    "tpu.region"() ({
      %run_scoped3A = tpu.sem_alloc : memref<!tpu.dma_semaphore, #tpu.memory_space<semaphore_mem>>
      %dma_start3A_125 = arith.constant 0 : i32
      %dma_start3A_126 = tpu.memref_slice %arg4[%mul3A_4, %dma_start3A_125] : memref<2560x128xi32, #tpu.memory_space<hbm>> -> memref<80x128xi32, #tpu.memory_space<hbm>>
      %dma_start3A_127 = arith.constant 0 : i32
      %dma_start3A_128 = tpu.memref_slice %arg4[%mul3A_4, %dma_start3A_127] : memref<2560x128xi32, #tpu.memory_space<hbm>> -> memref<80x128xi32, #tpu.memory_space<hbm>>
      tpu.enqueue_dma source(%dma_start3A_128 : memref<80x128xi32, #tpu.memory_space<hbm>>) target(%arg8 : memref<80x128xi32, #tpu.memory_space<vmem>>) target_semaphore(%run_scoped3A : memref<!tpu.dma_semaphore, #tpu.memory_space<semaphore_mem>>)
      %dma_wait3A_129 = arith.constant 0 : i32
      %dma_wait3A_130 = tpu.memref_slice %arg4[%mul3A_4, %dma_wait3A_129] : memref<2560x128xi32, #tpu.memory_space<hbm>> -> memref<80x128xi32, #tpu.memory_space<hbm>>
      %dma_wait3A_131 = arith.constant 0 : i32
      %dma_wait3A_132 = tpu.memref_slice %arg4[%mul3A_4, %dma_wait3A_131] : memref<2560x128xi32, #tpu.memory_space<hbm>> -> memref<80x128xi32, #tpu.memory_space<hbm>>
      tpu.wait_dma2 semaphore(%run_scoped3A : memref<!tpu.dma_semaphore, #tpu.memory_space<semaphore_mem>>) src(%dma_wait3A_132 : memref<80x128xi32, #tpu.memory_space<hbm>>) dst(%arg8 : memref<80x128xi32, #tpu.memory_space<vmem>>)
      tpu.yield
    }) : () -> ()
    %scan3A = arith.constant 0 : i32
    %scan3A_5 = arith.constant 0 : i32
    %scan3A_6 = arith.constant 632 : i32
    %scan3A_7 = arith.addi %scan3A_5, %scan3A_6 : i32
    %scan3A_8 = arith.constant 1 : i32
    %scan3A_9 = scf.for %scan3A_125 = %scan3A_5 to %scan3A_7 step %scan3A_8 iter_args(%scan3A_126 = %scan3A) -> (i32)  : i32 {
      %broadcast_in_dim3A = arith.constant 0.000000e+00 : f32
      %broadcast_in_dim3A_127 = vector.broadcast %broadcast_in_dim3A : f32 to vector<16xf32>
      %swap3A = arith.index_cast %scan3A_125 : i32 to index
      %swap3A_128 = arith.constant 0 : index
      %swap3A_129 = tpu.vector_load %arg11[%swap3A, %swap3A_128] {strides = array<i32>} : memref<632x32xf32, #tpu.memory_space<vmem>>, vector<1x16xf32>,
      %swap3A_130 = vector.shape_cast %swap3A_129 : vector<1x16xf32> to vector<16xf32>
      %swap3A_131 = vector.shape_cast %broadcast_in_dim3A_127 : vector<16xf32> to vector<1x16xf32>
      tpu.vector_store %arg11[%swap3A, %swap3A_128], %swap3A_131 {strides = array<i32>} : memref<632x32xf32, #tpu.memory_space<vmem>>, vector<1x16xf32>,
      %broadcast_in_dim3A_132 = arith.constant 0.000000e+00 : f32
      %broadcast_in_dim3A_133 = vector.broadcast %broadcast_in_dim3A_132 : f32 to vector<16xf32>
      %swap3A_134 = arith.index_cast %scan3A_125 : i32 to index
      %swap3A_135 = arith.constant 16 : index
      %swap3A_136 = tpu.vector_load %arg11[%swap3A_134, %swap3A_135] {strides = array<i32>} : memref<632x32xf32, #tpu.memory_space<vmem>>, vector<1x16xf32>,
      %swap3A_137 = vector.shape_cast %swap3A_136 : vector<1x16xf32> to vector<16xf32>
      %swap3A_138 = vector.shape_cast %broadcast_in_dim3A_133 : vector<16xf32> to vector<1x16xf32>
      tpu.vector_store %arg11[%swap3A_134, %swap3A_135], %swap3A_138 {strides = array<i32>} : memref<632x32xf32, #tpu.memory_space<vmem>>, vector<1x16xf32>,
      %scan3A_139 = arith.constant 0 : i32
      scf.yield %scan3A_139 : i32
    }
    %scan3A_10 = arith.constant 632 : i32
    %scan3A_11 = arith.constant 0 : i32
    %scan3A_12 = arith.constant 0 : i32
    %scan3A_13 = arith.constant 128 : i32
    %scan3A_14 = arith.addi %scan3A_12, %scan3A_13 : i32
    %scan3A_15 = arith.constant 1 : i32
    %scan3A_16 = scf.for %scan3A_125 = %scan3A_12 to %scan3A_14 step %scan3A_15 iter_args(%scan3A_126 = %scan3A_11) -> (i32)  : i32 {
      %broadcast_in_dim3A = arith.constant 1.000000e+00 : f32
      %broadcast_in_dim3A_127 = vector.broadcast %broadcast_in_dim3A : f32 to vector<16xf32>
      %swap3A = arith.index_cast %scan3A_125 : i32 to index
      %swap3A_128 = arith.constant 0 : index
      %swap3A_129 = tpu.vector_load %arg17[%swap3A, %swap3A_128] {strides = array<i32>} : memref<128x16xf32, #tpu.memory_space<vmem>>, vector<1x16xf32>,
      %swap3A_130 = vector.shape_cast %swap3A_129 : vector<1x16xf32> to vector<16xf32>
      %swap3A_131 = vector.shape_cast %broadcast_in_dim3A_127 : vector<16xf32> to vector<1x16xf32>
      tpu.vector_store %arg17[%swap3A, %swap3A_128], %swap3A_131 {strides = array<i32>} : memref<128x16xf32, #tpu.memory_space<vmem>>, vector<1x16xf32>,
      %scan3A_132 = arith.constant 0 : i32
      scf.yield %scan3A_132 : i32
    }
    %scan3A_17 = arith.constant 128 : i32
    %scan3A_18 = arith.constant 0 : i32
    %scan3A_19 = arith.constant 0 : i32
    %scan3A_20 = arith.constant 632 : i32
    %scan3A_21 = arith.addi %scan3A_19, %scan3A_20 : i32
    %scan3A_22 = arith.constant 1 : i32
    %scan3A_23 = scf.for %scan3A_125 = %scan3A_19 to %scan3A_21 step %scan3A_22 iter_args(%scan3A_126 = %scan3A_18) -> (i32)  : i32 {
      %broadcast_in_dim3A = arith.constant 0.000000e+00 : f32
      %broadcast_in_dim3A_127 = vector.broadcast %broadcast_in_dim3A : f32 to vector<16xf32>
      %swap3A = arith.index_cast %scan3A_125 : i32 to index
      %swap3A_128 = arith.constant 0 : index
      %swap3A_129 = tpu.vector_load %arg18[%swap3A, %swap3A_128] {strides = array<i32>} : memref<632x16xf32, #tpu.memory_space<vmem>>, vector<1x16xf32>,
      %swap3A_130 = vector.shape_cast %swap3A_129 : vector<1x16xf32> to vector<16xf32>
      %swap3A_131 = vector.shape_cast %broadcast_in_dim3A_127 : vector<16xf32> to vector<1x16xf32>
      tpu.vector_store %arg18[%swap3A, %swap3A_128], %swap3A_131 {strides = array<i32>} : memref<632x16xf32, #tpu.memory_space<vmem>>, vector<1x16xf32>,
      %scan3A_132 = arith.constant 0 : i32
      scf.yield %scan3A_132 : i32
    }
    %scan3A_24 = arith.constant 632 : i32
    %mul3A_25 = arith.constant 632 : i32
    %mul3A_26 = arith.muli %arg1, %mul3A_25 : i32
    "tpu.region"() ({
      %run_scoped3A = tpu.sem_alloc : memref<!tpu.dma_semaphore, #tpu.memory_space<semaphore_mem>>
      %dma_start3A_125 = arith.constant 0 : i32
      %dma_start3A_126 = tpu.memref_slice %arg12[%mul3A_26, %dma_start3A_125] : memref<10112x32xf32, #tpu.memory_space<vmem_shared>> -> memref<632x32xf32, #tpu.memory_space<vmem_shared>>
      %dma_start3A_127 = arith.constant 0 : i32
      %dma_start3A_128 = tpu.memref_slice %arg12[%mul3A_26, %dma_start3A_127] : memref<10112x32xf32, #tpu.memory_space<vmem_shared>> -> memref<632x32xf32, #tpu.memory_space<vmem_shared>>
      tpu.enqueue_dma source(%arg11 : memref<632x32xf32, #tpu.memory_space<vmem>>) target(%dma_start3A_128 : memref<632x32xf32, #tpu.memory_space<vmem_shared>>) target_semaphore(%run_scoped3A : memref<!tpu.dma_semaphore, #tpu.memory_space<semaphore_mem>>)
      %dma_wait3A_129 = arith.constant 0 : i32
      %dma_wait3A_130 = tpu.memref_slice %arg12[%mul3A_26, %dma_wait3A_129] : memref<10112x32xf32, #tpu.memory_space<vmem_shared>> -> memref<632x32xf32, #tpu.memory_space<vmem_shared>>
      %dma_wait3A_131 = arith.constant 0 : i32
      %dma_wait3A_132 = tpu.memref_slice %arg12[%mul3A_26, %dma_wait3A_131] : memref<10112x32xf32, #tpu.memory_space<vmem_shared>> -> memref<632x32xf32, #tpu.memory_space<vmem_shared>>
      tpu.wait_dma2 semaphore(%run_scoped3A : memref<!tpu.dma_semaphore, #tpu.memory_space<semaphore_mem>>) src(%arg11 : memref<632x32xf32, #tpu.memory_space<vmem>>) dst(%dma_wait3A_132 : memref<632x32xf32, #tpu.memory_space<vmem_shared>>)
      tpu.yield
    }) : () -> ()
    %mul3A_27 = arith.constant 632 : i32
    %mul3A_28 = arith.muli %arg1, %mul3A_27 : i32
    "tpu.region"() ({
      %run_scoped3A = tpu.sem_alloc : memref<!tpu.dma_semaphore, #tpu.memory_space<semaphore_mem>>
      %dma_start3A_125 = arith.constant 0 : i32
      %dma_start3A_126 = tpu.memref_slice %arg19[%mul3A_28, %dma_start3A_125] : memref<10112x16xf32, #tpu.memory_space<vmem_shared>> -> memref<632x16xf32, #tpu.memory_space<vmem_shared>>
      %dma_start3A_127 = arith.constant 0 : i32
      %dma_start3A_128 = tpu.memref_slice %arg19[%mul3A_28, %dma_start3A_127] : memref<10112x16xf32, #tpu.memory_space<vmem_shared>> -> memref<632x16xf32, #tpu.memory_space<vmem_shared>>
      tpu.enqueue_dma source(%arg18 : memref<632x16xf32, #tpu.memory_space<vmem>>) target(%dma_start3A_128 : memref<632x16xf32, #tpu.memory_space<vmem_shared>>) target_semaphore(%run_scoped3A : memref<!tpu.dma_semaphore, #tpu.memory_space<semaphore_mem>>)
      %dma_wait3A_129 = arith.constant 0 : i32
      %dma_wait3A_130 = tpu.memref_slice %arg19[%mul3A_28, %dma_wait3A_129] : memref<10112x16xf32, #tpu.memory_space<vmem_shared>> -> memref<632x16xf32, #tpu.memory_space<vmem_shared>>
      %dma_wait3A_131 = arith.constant 0 : i32
      %dma_wait3A_132 = tpu.memref_slice %arg19[%mul3A_28, %dma_wait3A_131] : memref<10112x16xf32, #tpu.memory_space<vmem_shared>> -> memref<632x16xf32, #tpu.memory_space<vmem_shared>>
      tpu.wait_dma2 semaphore(%run_scoped3A : memref<!tpu.dma_semaphore, #tpu.memory_space<semaphore_mem>>) src(%arg18 : memref<632x16xf32, #tpu.memory_space<vmem>>) dst(%dma_wait3A_132 : memref<632x16xf32, #tpu.memory_space<vmem_shared>>)
      tpu.yield
    }) : () -> ()
    %barrier3A = arith.constant 0 : index
    tpu.barrier barrier_id(%barrier3A)
    %dma_start3A = arith.constant 0 : i32
    %dma_start3A_29 = arith.constant 0 : i32
    %dma_start3A_30 = tpu.memref_slice %arg7[%dma_start3A, %dma_start3A_29] : memref<80x128xi32, #tpu.memory_space<vmem>> -> memref<1x128xi32, #tpu.memory_space<vmem>>
    %dma_start3A_31 = tpu.memref_squeeze %dma_start3A_30 : memref<1x128xi32, #tpu.memory_space<vmem>> -> memref<128xi32, #tpu.memory_space<vmem>>
    %dma_start3A_32 = arith.constant 0 : i32
    %dma_start3A_33 = arith.constant 0 : i32
    %dma_start3A_34 = tpu.memref_slice %arg2[%dma_start3A_32, %dma_start3A_33] : memref<10016x32xf32, #tpu.memory_space<hbm>> -> memref<10016x32xf32, #tpu.memory_space<hbm>>
    tpu.enqueue_indirect_dma source(%dma_start3A_34 : memref<10016x32xf32, #tpu.memory_space<hbm>>) target(%arg9 : memref<128x32xf32, #tpu.memory_space<vmem>>) offsets(%dma_start3A_31 : memref<128xi32, #tpu.memory_space<vmem>>) semaphore(%arg13 : memref<!tpu.dma_semaphore, #tpu.memory_space<semaphore_mem>>)
    %dma_start3A_35 = arith.constant 1 : i32
    %dma_start3A_36 = arith.constant 0 : i32
    %dma_start3A_37 = tpu.memref_slice %arg7[%dma_start3A_35, %dma_start3A_36] : memref<80x128xi32, #tpu.memory_space<vmem>> -> memref<1x128xi32, #tpu.memory_space<vmem>>
    %dma_start3A_38 = tpu.memref_squeeze %dma_start3A_37 : memref<1x128xi32, #tpu.memory_space<vmem>> -> memref<128xi32, #tpu.memory_space<vmem>>
    %dma_start3A_39 = arith.constant 0 : i32
    %dma_start3A_40 = arith.constant 0 : i32
    %dma_start3A_41 = tpu.memref_slice %arg2[%dma_start3A_39, %dma_start3A_40] : memref<10016x32xf32, #tpu.memory_space<hbm>> -> memref<10016x32xf32, #tpu.memory_space<hbm>>
    tpu.enqueue_indirect_dma source(%dma_start3A_41 : memref<10016x32xf32, #tpu.memory_space<hbm>>) target(%arg10 : memref<128x32xf32, #tpu.memory_space<vmem>>) offsets(%dma_start3A_38 : memref<128xi32, #tpu.memory_space<vmem>>) semaphore(%arg14 : memref<!tpu.dma_semaphore, #tpu.memory_space<semaphore_mem>>)
    %scan3A_42 = arith.constant 0 : i32
    %scan3A_43 = arith.constant 0 : i32
    %scan3A_44 = arith.constant 39 : i32
    %scan3A_45 = arith.addi %scan3A_43, %scan3A_44 : i32
    %scan3A_46 = arith.constant 1 : i32
    %scan3A_47 = scf.for %scan3A_125 = %scan3A_43 to %scan3A_45 step %scan3A_46 iter_args(%scan3A_126 = %scan3A_42) -> (i32)  : i32 {
      %mul3A_127 = arith.constant 2 : i32
      %mul3A_128 = arith.muli %mul3A_127, %scan3A_125 : i32
      %dma_wait3A_129 = arith.constant 0 : i32
      %dma_wait3A_130 = arith.constant 0 : i32
      %dma_wait3A_131 = tpu.memref_slice %arg7[%dma_wait3A_129, %dma_wait3A_130] : memref<80x128xi32, #tpu.memory_space<vmem>> -> memref<1x128xi32, #tpu.memory_space<vmem>>
      %dma_wait3A_132 = tpu.memref_squeeze %dma_wait3A_131 : memref<1x128xi32, #tpu.memory_space<vmem>> -> memref<128xi32, #tpu.memory_space<vmem>>
      %dma_wait3A_133 = arith.constant 0 : i32
      %dma_wait3A_134 = arith.constant 0 : i32
      %dma_wait3A_135 = tpu.memref_slice %arg2[%dma_wait3A_133, %dma_wait3A_134] : memref<10016x32xf32, #tpu.memory_space<hbm>> -> memref<10016x32xf32, #tpu.memory_space<hbm>>
      tpu.wait_indirect_dma semaphore(%arg13 : memref<!tpu.dma_semaphore, #tpu.memory_space<semaphore_mem>>) src(%dma_wait3A_135 : memref<10016x32xf32, #tpu.memory_space<hbm>>) dst(%arg9 : memref<128x32xf32, #tpu.memory_space<vmem>>)
      %dma_start3A_136 = arith.constant 0 : i32
      %dma_start3A_137 = tpu.memref_slice %arg8[%mul3A_128, %dma_start3A_136] : memref<80x128xi32, #tpu.memory_space<vmem>> -> memref<1x128xi32, #tpu.memory_space<vmem>>
      %dma_start3A_138 = tpu.memref_squeeze %dma_start3A_137 : memref<1x128xi32, #tpu.memory_space<vmem>> -> memref<128xi32, #tpu.memory_space<vmem>>
      %dma_start3A_139 = arith.constant 0 : i32
      %dma_start3A_140 = arith.constant 0 : i32
      %dma_start3A_141 = tpu.memref_slice %arg12[%dma_start3A_139, %dma_start3A_140] : memref<10112x32xf32, #tpu.memory_space<vmem_shared>> -> memref<10112x32xf32, #tpu.memory_space<vmem_shared>>
      tpu.enqueue_indirect_dma source(%arg9 : memref<128x32xf32, #tpu.memory_space<vmem>>) target(%dma_start3A_141 : memref<10112x32xf32, #tpu.memory_space<vmem_shared>>) offsets(%dma_start3A_138 : memref<128xi32, #tpu.memory_space<vmem>>) semaphore(%arg15 : memref<!tpu.dma_semaphore, #tpu.memory_space<semaphore_mem>>) {add = true}
      %dma_wait3A_142 = arith.constant 0 : i32
      %dma_wait3A_143 = arith.constant 0 : i32
      %dma_wait3A_144 = tpu.memref_slice %arg7[%dma_wait3A_142, %dma_wait3A_143] : memref<80x128xi32, #tpu.memory_space<vmem>> -> memref<1x128xi32, #tpu.memory_space<vmem>>
      %dma_wait3A_145 = tpu.memref_squeeze %dma_wait3A_144 : memref<1x128xi32, #tpu.memory_space<vmem>> -> memref<128xi32, #tpu.memory_space<vmem>>
      %dma_wait3A_146 = arith.constant 0 : i32
      %dma_wait3A_147 = arith.constant 0 : i32
      %dma_wait3A_148 = tpu.memref_slice %arg2[%dma_wait3A_146, %dma_wait3A_147] : memref<10016x32xf32, #tpu.memory_space<hbm>> -> memref<10016x32xf32, #tpu.memory_space<hbm>>
      tpu.wait_indirect_dma semaphore(%arg14 : memref<!tpu.dma_semaphore, #tpu.memory_space<semaphore_mem>>) src(%dma_wait3A_148 : memref<10016x32xf32, #tpu.memory_space<hbm>>) dst(%arg10 : memref<128x32xf32, #tpu.memory_space<vmem>>)
      %add3A_149 = arith.constant 1 : i32
      %add3A_150 = arith.addi %mul3A_128, %add3A_149 : i32
      %dma_start3A_151 = arith.constant 0 : i32
      %dma_start3A_152 = tpu.memref_slice %arg8[%add3A_150, %dma_start3A_151] : memref<80x128xi32, #tpu.memory_space<vmem>> -> memref<1x128xi32, #tpu.memory_space<vmem>>
      %dma_start3A_153 = tpu.memref_squeeze %dma_start3A_152 : memref<1x128xi32, #tpu.memory_space<vmem>> -> memref<128xi32, #tpu.memory_space<vmem>>
      %dma_start3A_154 = arith.constant 0 : i32
      %dma_start3A_155 = arith.constant 0 : i32
      %dma_start3A_156 = tpu.memref_slice %arg12[%dma_start3A_154, %dma_start3A_155] : memref<10112x32xf32, #tpu.memory_space<vmem_shared>> -> memref<10112x32xf32, #tpu.memory_space<vmem_shared>>
      tpu.enqueue_indirect_dma source(%arg10 : memref<128x32xf32, #tpu.memory_space<vmem>>) target(%dma_start3A_156 : memref<10112x32xf32, #tpu.memory_space<vmem_shared>>) offsets(%dma_start3A_153 : memref<128xi32, #tpu.memory_space<vmem>>) semaphore(%arg16 : memref<!tpu.dma_semaphore, #tpu.memory_space<semaphore_mem>>) {add = true}
      %dma_start3A_157 = arith.constant 0 : i32
      %dma_start3A_158 = tpu.memref_slice %arg8[%mul3A_128, %dma_start3A_157] : memref<80x128xi32, #tpu.memory_space<vmem>> -> memref<1x128xi32, #tpu.memory_space<vmem>>
      %dma_start3A_159 = tpu.memref_squeeze %dma_start3A_158 : memref<1x128xi32, #tpu.memory_space<vmem>> -> memref<128xi32, #tpu.memory_space<vmem>>
      %dma_start3A_160 = arith.constant 0 : i32
      %dma_start3A_161 = arith.constant 0 : i32
      %dma_start3A_162 = tpu.memref_slice %arg19[%dma_start3A_160, %dma_start3A_161] : memref<10112x16xf32, #tpu.memory_space<vmem_shared>> -> memref<10112x16xf32, #tpu.memory_space<vmem_shared>>
      tpu.enqueue_indirect_dma source(%arg17 : memref<128x16xf32, #tpu.memory_space<vmem>>) target(%dma_start3A_162 : memref<10112x16xf32, #tpu.memory_space<vmem_shared>>) offsets(%dma_start3A_159 : memref<128xi32, #tpu.memory_space<vmem>>) semaphore(%arg20 : memref<!tpu.dma_semaphore, #tpu.memory_space<semaphore_mem>>) {add = true}
      %add3A_163 = arith.constant 1 : i32
      %add3A_164 = arith.addi %mul3A_128, %add3A_163 : i32
      %dma_start3A_165 = arith.constant 0 : i32
      %dma_start3A_166 = tpu.memref_slice %arg8[%add3A_164, %dma_start3A_165] : memref<80x128xi32, #tpu.memory_space<vmem>> -> memref<1x128xi32, #tpu.memory_space<vmem>>
      %dma_start3A_167 = tpu.memref_squeeze %dma_start3A_166 : memref<1x128xi32, #tpu.memory_space<vmem>> -> memref<128xi32, #tpu.memory_space<vmem>>
      %dma_start3A_168 = arith.constant 0 : i32
      %dma_start3A_169 = arith.constant 0 : i32
      %dma_start3A_170 = tpu.memref_slice %arg19[%dma_start3A_168, %dma_start3A_169] : memref<10112x16xf32, #tpu.memory_space<vmem_shared>> -> memref<10112x16xf32, #tpu.memory_space<vmem_shared>>
      tpu.enqueue_indirect_dma source(%arg17 : memref<128x16xf32, #tpu.memory_space<vmem>>) target(%dma_start3A_170 : memref<10112x16xf32, #tpu.memory_space<vmem_shared>>) offsets(%dma_start3A_167 : memref<128xi32, #tpu.memory_space<vmem>>) semaphore(%arg20 : memref<!tpu.dma_semaphore, #tpu.memory_space<semaphore_mem>>) {add = true}
      %dma_wait3A_171 = arith.constant 0 : i32
      %dma_wait3A_172 = arith.constant 0 : i32
      %dma_wait3A_173 = tpu.memref_slice %arg8[%dma_wait3A_171, %dma_wait3A_172] : memref<80x128xi32, #tpu.memory_space<vmem>> -> memref<1x128xi32, #tpu.memory_space<vmem>>
      %dma_wait3A_174 = tpu.memref_squeeze %dma_wait3A_173 : memref<1x128xi32, #tpu.memory_space<vmem>> -> memref<128xi32, #tpu.memory_space<vmem>>
      %dma_wait3A_175 = arith.constant 0 : i32
      %dma_wait3A_176 = arith.constant 0 : i32
      %dma_wait3A_177 = tpu.memref_slice %arg12[%dma_wait3A_175, %dma_wait3A_176] : memref<10112x32xf32, #tpu.memory_space<vmem_shared>> -> memref<10112x32xf32, #tpu.memory_space<vmem_shared>>
      tpu.wait_indirect_dma semaphore(%arg15 : memref<!tpu.dma_semaphore, #tpu.memory_space<semaphore_mem>>) src(%arg9 : memref<128x32xf32, #tpu.memory_space<vmem>>) dst(%dma_wait3A_177 : memref<10112x32xf32, #tpu.memory_space<vmem_shared>>)
      %add3A_178 = arith.constant 2 : i32
      %add3A_179 = arith.addi %mul3A_128, %add3A_178 : i32
      %dma_start3A_180 = arith.constant 0 : i32
      %dma_start3A_181 = tpu.memref_slice %arg7[%add3A_179, %dma_start3A_180] : memref<80x128xi32, #tpu.memory_space<vmem>> -> memref<1x128xi32, #tpu.memory_space<vmem>>
      %dma_start3A_182 = tpu.memref_squeeze %dma_start3A_181 : memref<1x128xi32, #tpu.memory_space<vmem>> -> memref<128xi32, #tpu.memory_space<vmem>>
      %dma_start3A_183 = arith.constant 0 : i32
      %dma_start3A_184 = arith.constant 0 : i32
      %dma_start3A_185 = tpu.memref_slice %arg2[%dma_start3A_183, %dma_start3A_184] : memref<10016x32xf32, #tpu.memory_space<hbm>> -> memref<10016x32xf32, #tpu.memory_space<hbm>>
      tpu.enqueue_indirect_dma source(%dma_start3A_185 : memref<10016x32xf32, #tpu.memory_space<hbm>>) target(%arg9 : memref<128x32xf32, #tpu.memory_space<vmem>>) offsets(%dma_start3A_182 : memref<128xi32, #tpu.memory_space<vmem>>) semaphore(%arg13 : memref<!tpu.dma_semaphore, #tpu.memory_space<semaphore_mem>>)
      %dma_wait3A_186 = arith.constant 0 : i32
      %dma_wait3A_187 = arith.constant 0 : i32
      %dma_wait3A_188 = tpu.memref_slice %arg8[%dma_wait3A_186, %dma_wait3A_187] : memref<80x128xi32, #tpu.memory_space<vmem>> -> memref<1x128xi32, #tpu.memory_space<vmem>>
      %dma_wait3A_189 = tpu.memref_squeeze %dma_wait3A_188 : memref<1x128xi32, #tpu.memory_space<vmem>> -> memref<128xi32, #tpu.memory_space<vmem>>
      %dma_wait3A_190 = arith.constant 0 : i32
      %dma_wait3A_191 = arith.constant 0 : i32
      %dma_wait3A_192 = tpu.memref_slice %arg12[%dma_wait3A_190, %dma_wait3A_191] : memref<10112x32xf32, #tpu.memory_space<vmem_shared>> -> memref<10112x32xf32, #tpu.memory_space<vmem_shared>>
      tpu.wait_indirect_dma semaphore(%arg16 : memref<!tpu.dma_semaphore, #tpu.memory_space<semaphore_mem>>) src(%arg10 : memref<128x32xf32, #tpu.memory_space<vmem>>) dst(%dma_wait3A_192 : memref<10112x32xf32, #tpu.memory_space<vmem_shared>>)
      %add3A_193 = arith.constant 3 : i32
      %add3A_194 = arith.addi %mul3A_128, %add3A_193 : i32
      %dma_start3A_195 = arith.constant 0 : i32
      %dma_start3A_196 = tpu.memref_slice %arg7[%add3A_194, %dma_start3A_195] : memref<80x128xi32, #tpu.memory_space<vmem>> -> memref<1x128xi32, #tpu.memory_space<vmem>>
      %dma_start3A_197 = tpu.memref_squeeze %dma_start3A_196 : memref<1x128xi32, #tpu.memory_space<vmem>> -> memref<128xi32, #tpu.memory_space<vmem>>
      %dma_start3A_198 = arith.constant 0 : i32
      %dma_start3A_199 = arith.constant 0 : i32
      %dma_start3A_200 = tpu.memref_slice %arg2[%dma_start3A_198, %dma_start3A_199] : memref<10016x32xf32, #tpu.memory_space<hbm>> -> memref<10016x32xf32, #tpu.memory_space<hbm>>
      tpu.enqueue_indirect_dma source(%dma_start3A_200 : memref<10016x32xf32, #tpu.memory_space<hbm>>) target(%arg10 : memref<128x32xf32, #tpu.memory_space<vmem>>) offsets(%dma_start3A_197 : memref<128xi32, #tpu.memory_space<vmem>>) semaphore(%arg14 : memref<!tpu.dma_semaphore, #tpu.memory_space<semaphore_mem>>)
      %dma_wait3A_201 = arith.constant 0 : i32
      %dma_wait3A_202 = arith.constant 0 : i32
      %dma_wait3A_203 = tpu.memref_slice %arg8[%dma_wait3A_201, %dma_wait3A_202] : memref<80x128xi32, #tpu.memory_space<vmem>> -> memref<1x128xi32, #tpu.memory_space<vmem>>
      %dma_wait3A_204 = tpu.memref_squeeze %dma_wait3A_203 : memref<1x128xi32, #tpu.memory_space<vmem>> -> memref<128xi32, #tpu.memory_space<vmem>>
      %dma_wait3A_205 = arith.constant 0 : i32
      %dma_wait3A_206 = arith.constant 0 : i32
      %dma_wait3A_207 = tpu.memref_slice %arg19[%dma_wait3A_205, %dma_wait3A_206] : memref<10112x16xf32, #tpu.memory_space<vmem_shared>> -> memref<10112x16xf32, #tpu.memory_space<vmem_shared>>
      tpu.wait_indirect_dma semaphore(%arg20 : memref<!tpu.dma_semaphore, #tpu.memory_space<semaphore_mem>>) src(%arg17 : memref<128x16xf32, #tpu.memory_space<vmem>>) dst(%dma_wait3A_207 : memref<10112x16xf32, #tpu.memory_space<vmem_shared>>)
      %dma_wait3A_208 = arith.constant 0 : i32
      %dma_wait3A_209 = arith.constant 0 : i32
      %dma_wait3A_210 = tpu.memref_slice %arg8[%dma_wait3A_208, %dma_wait3A_209] : memref<80x128xi32, #tpu.memory_space<vmem>> -> memref<1x128xi32, #tpu.memory_space<vmem>>
      %dma_wait3A_211 = tpu.memref_squeeze %dma_wait3A_210 : memref<1x128xi32, #tpu.memory_space<vmem>> -> memref<128xi32, #tpu.memory_space<vmem>>
      %dma_wait3A_212 = arith.constant 0 : i32
      %dma_wait3A_213 = arith.constant 0 : i32
      %dma_wait3A_214 = tpu.memref_slice %arg19[%dma_wait3A_212, %dma_wait3A_213] : memref<10112x16xf32, #tpu.memory_space<vmem_shared>> -> memref<10112x16xf32, #tpu.memory_space<vmem_shared>>
      tpu.wait_indirect_dma semaphore(%arg20 : memref<!tpu.dma_semaphore, #tpu.memory_space<semaphore_mem>>) src(%arg17 : memref<128x16xf32, #tpu.memory_space<vmem>>) dst(%dma_wait3A_214 : memref<10112x16xf32, #tpu.memory_space<vmem_shared>>)
      %scan3A_215 = arith.constant 0 : i32
      scf.yield %scan3A_215 : i32
    }
    %scan3A_48 = arith.constant 39 : i32
    %dma_wait3A = arith.constant 0 : i32
    %dma_wait3A_49 = arith.constant 0 : i32
    %dma_wait3A_50 = tpu.memref_slice %arg7[%dma_wait3A, %dma_wait3A_49] : memref<80x128xi32, #tpu.memory_space<vmem>> -> memref<1x128xi32, #tpu.memory_space<vmem>>
    %dma_wait3A_51 = tpu.memref_squeeze %dma_wait3A_50 : memref<1x128xi32, #tpu.memory_space<vmem>> -> memref<128xi32, #tpu.memory_space<vmem>>
    %dma_wait3A_52 = arith.constant 0 : i32
    %dma_wait3A_53 = arith.constant 0 : i32
    %dma_wait3A_54 = tpu.memref_slice %arg2[%dma_wait3A_52, %dma_wait3A_53] : memref<10016x32xf32, #tpu.memory_space<hbm>> -> memref<10016x32xf32, #tpu.memory_space<hbm>>
    tpu.wait_indirect_dma semaphore(%arg13 : memref<!tpu.dma_semaphore, #tpu.memory_space<semaphore_mem>>) src(%dma_wait3A_54 : memref<10016x32xf32, #tpu.memory_space<hbm>>) dst(%arg9 : memref<128x32xf32, #tpu.memory_space<vmem>>)
    %dma_start3A_55 = arith.constant 78 : i32
    %dma_start3A_56 = arith.constant 0 : i32
    %dma_start3A_57 = tpu.memref_slice %arg8[%dma_start3A_55, %dma_start3A_56] : memref<80x128xi32, #tpu.memory_space<vmem>> -> memref<1x128xi32, #tpu.memory_space<vmem>>
    %dma_start3A_58 = tpu.memref_squeeze %dma_start3A_57 : memref<1x128xi32, #tpu.memory_space<vmem>> -> memref<128xi32, #tpu.memory_space<vmem>>
    %dma_start3A_59 = arith.constant 0 : i32
    %dma_start3A_60 = arith.constant 0 : i32
    %dma_start3A_61 = tpu.memref_slice %arg12[%dma_start3A_59, %dma_start3A_60] : memref<10112x32xf32, #tpu.memory_space<vmem_shared>> -> memref<10112x32xf32, #tpu.memory_space<vmem_shared>>
    tpu.enqueue_indirect_dma source(%arg9 : memref<128x32xf32, #tpu.memory_space<vmem>>) target(%dma_start3A_61 : memref<10112x32xf32, #tpu.memory_space<vmem_shared>>) offsets(%dma_start3A_58 : memref<128xi32, #tpu.memory_space<vmem>>) semaphore(%arg15 : memref<!tpu.dma_semaphore, #tpu.memory_space<semaphore_mem>>) {add = true}
    %dma_wait3A_62 = arith.constant 0 : i32
    %dma_wait3A_63 = arith.constant 0 : i32
    %dma_wait3A_64 = tpu.memref_slice %arg7[%dma_wait3A_62, %dma_wait3A_63] : memref<80x128xi32, #tpu.memory_space<vmem>> -> memref<1x128xi32, #tpu.memory_space<vmem>>
    %dma_wait3A_65 = tpu.memref_squeeze %dma_wait3A_64 : memref<1x128xi32, #tpu.memory_space<vmem>> -> memref<128xi32, #tpu.memory_space<vmem>>
    %dma_wait3A_66 = arith.constant 0 : i32
    %dma_wait3A_67 = arith.constant 0 : i32
    %dma_wait3A_68 = tpu.memref_slice %arg2[%dma_wait3A_66, %dma_wait3A_67] : memref<10016x32xf32, #tpu.memory_space<hbm>> -> memref<10016x32xf32, #tpu.memory_space<hbm>>
    tpu.wait_indirect_dma semaphore(%arg14 : memref<!tpu.dma_semaphore, #tpu.memory_space<semaphore_mem>>) src(%dma_wait3A_68 : memref<10016x32xf32, #tpu.memory_space<hbm>>) dst(%arg10 : memref<128x32xf32, #tpu.memory_space<vmem>>)
    %dma_start3A_69 = arith.constant 79 : i32
    %dma_start3A_70 = arith.constant 0 : i32
    %dma_start3A_71 = tpu.memref_slice %arg8[%dma_start3A_69, %dma_start3A_70] : memref<80x128xi32, #tpu.memory_space<vmem>> -> memref<1x128xi32, #tpu.memory_space<vmem>>
    %dma_start3A_72 = tpu.memref_squeeze %dma_start3A_71 : memref<1x128xi32, #tpu.memory_space<vmem>> -> memref<128xi32, #tpu.memory_space<vmem>>
    %dma_start3A_73 = arith.constant 0 : i32
    %dma_start3A_74 = arith.constant 0 : i32
    %dma_start3A_75 = tpu.memref_slice %arg12[%dma_start3A_73, %dma_start3A_74] : memref<10112x32xf32, #tpu.memory_space<vmem_shared>> -> memref<10112x32xf32, #tpu.memory_space<vmem_shared>>
    tpu.enqueue_indirect_dma source(%arg10 : memref<128x32xf32, #tpu.memory_space<vmem>>) target(%dma_start3A_75 : memref<10112x32xf32, #tpu.memory_space<vmem_shared>>) offsets(%dma_start3A_72 : memref<128xi32, #tpu.memory_space<vmem>>) semaphore(%arg16 : memref<!tpu.dma_semaphore, #tpu.memory_space<semaphore_mem>>) {add = true}
    %dma_start3A_76 = arith.constant 78 : i32
    %dma_start3A_77 = arith.constant 0 : i32
    %dma_start3A_78 = tpu.memref_slice %arg8[%dma_start3A_76, %dma_start3A_77] : memref<80x128xi32, #tpu.memory_space<vmem>> -> memref<1x128xi32, #tpu.memory_space<vmem>>
    %dma_start3A_79 = tpu.memref_squeeze %dma_start3A_78 : memref<1x128xi32, #tpu.memory_space<vmem>> -> memref<128xi32, #tpu.memory_space<vmem>>
    %dma_start3A_80 = arith.constant 0 : i32
    %dma_start3A_81 = arith.constant 0 : i32
    %dma_start3A_82 = tpu.memref_slice %arg19[%dma_start3A_80, %dma_start3A_81] : memref<10112x16xf32, #tpu.memory_space<vmem_shared>> -> memref<10112x16xf32, #tpu.memory_space<vmem_shared>>
    tpu.enqueue_indirect_dma source(%arg17 : memref<128x16xf32, #tpu.memory_space<vmem>>) target(%dma_start3A_82 : memref<10112x16xf32, #tpu.memory_space<vmem_shared>>) offsets(%dma_start3A_79 : memref<128xi32, #tpu.memory_space<vmem>>) semaphore(%arg20 : memref<!tpu.dma_semaphore, #tpu.memory_space<semaphore_mem>>) {add = true}
    %dma_start3A_83 = arith.constant 79 : i32
    %dma_start3A_84 = arith.constant 0 : i32
    %dma_start3A_85 = tpu.memref_slice %arg8[%dma_start3A_83, %dma_start3A_84] : memref<80x128xi32, #tpu.memory_space<vmem>> -> memref<1x128xi32, #tpu.memory_space<vmem>>
    %dma_start3A_86 = tpu.memref_squeeze %dma_start3A_85 : memref<1x128xi32, #tpu.memory_space<vmem>> -> memref<128xi32, #tpu.memory_space<vmem>>
    %dma_start3A_87 = arith.constant 0 : i32
    %dma_start3A_88 = arith.constant 0 : i32
    %dma_start3A_89 = tpu.memref_slice %arg19[%dma_start3A_87, %dma_start3A_88] : memref<10112x16xf32, #tpu.memory_space<vmem_shared>> -> memref<10112x16xf32, #tpu.memory_space<vmem_shared>>
    tpu.enqueue_indirect_dma source(%arg17 : memref<128x16xf32, #tpu.memory_space<vmem>>) target(%dma_start3A_89 : memref<10112x16xf32, #tpu.memory_space<vmem_shared>>) offsets(%dma_start3A_86 : memref<128xi32, #tpu.memory_space<vmem>>) semaphore(%arg20 : memref<!tpu.dma_semaphore, #tpu.memory_space<semaphore_mem>>) {add = true}
    %dma_wait3A_90 = arith.constant 0 : i32
    %dma_wait3A_91 = arith.constant 0 : i32
    %dma_wait3A_92 = tpu.memref_slice %arg8[%dma_wait3A_90, %dma_wait3A_91] : memref<80x128xi32, #tpu.memory_space<vmem>> -> memref<1x128xi32, #tpu.memory_space<vmem>>
    %dma_wait3A_93 = tpu.memref_squeeze %dma_wait3A_92 : memref<1x128xi32, #tpu.memory_space<vmem>> -> memref<128xi32, #tpu.memory_space<vmem>>
    %dma_wait3A_94 = arith.constant 0 : i32
    %dma_wait3A_95 = arith.constant 0 : i32
    %dma_wait3A_96 = tpu.memref_slice %arg19[%dma_wait3A_94, %dma_wait3A_95] : memref<10112x16xf32, #tpu.memory_space<vmem_shared>> -> memref<10112x16xf32, #tpu.memory_space<vmem_shared>>
    tpu.wait_indirect_dma semaphore(%arg20 : memref<!tpu.dma_semaphore, #tpu.memory_space<semaphore_mem>>) src(%arg17 : memref<128x16xf32, #tpu.memory_space<vmem>>) dst(%dma_wait3A_96 : memref<10112x16xf32, #tpu.memory_space<vmem_shared>>)
    %dma_wait3A_97 = arith.constant 0 : i32
    %dma_wait3A_98 = arith.constant 0 : i32
    %dma_wait3A_99 = tpu.memref_slice %arg8[%dma_wait3A_97, %dma_wait3A_98] : memref<80x128xi32, #tpu.memory_space<vmem>> -> memref<1x128xi32, #tpu.memory_space<vmem>>
    %dma_wait3A_100 = tpu.memref_squeeze %dma_wait3A_99 : memref<1x128xi32, #tpu.memory_space<vmem>> -> memref<128xi32, #tpu.memory_space<vmem>>
    %dma_wait3A_101 = arith.constant 0 : i32
    %dma_wait3A_102 = arith.constant 0 : i32
    %dma_wait3A_103 = tpu.memref_slice %arg19[%dma_wait3A_101, %dma_wait3A_102] : memref<10112x16xf32, #tpu.memory_space<vmem_shared>> -> memref<10112x16xf32, #tpu.memory_space<vmem_shared>>
    tpu.wait_indirect_dma semaphore(%arg20 : memref<!tpu.dma_semaphore, #tpu.memory_space<semaphore_mem>>) src(%arg17 : memref<128x16xf32, #tpu.memory_space<vmem>>) dst(%dma_wait3A_103 : memref<10112x16xf32, #tpu.memory_space<vmem_shared>>)
    %dma_wait3A_104 = arith.constant 0 : i32
    %dma_wait3A_105 = arith.constant 0 : i32
    %dma_wait3A_106 = tpu.memref_slice %arg8[%dma_wait3A_104, %dma_wait3A_105] : memref<80x128xi32, #tpu.memory_space<vmem>> -> memref<1x128xi32, #tpu.memory_space<vmem>>
    %dma_wait3A_107 = tpu.memref_squeeze %dma_wait3A_106 : memref<1x128xi32, #tpu.memory_space<vmem>> -> memref<128xi32, #tpu.memory_space<vmem>>
    %dma_wait3A_108 = arith.constant 0 : i32
    %dma_wait3A_109 = arith.constant 0 : i32
    %dma_wait3A_110 = tpu.memref_slice %arg12[%dma_wait3A_108, %dma_wait3A_109] : memref<10112x32xf32, #tpu.memory_space<vmem_shared>> -> memref<10112x32xf32, #tpu.memory_space<vmem_shared>>
    tpu.wait_indirect_dma semaphore(%arg15 : memref<!tpu.dma_semaphore, #tpu.memory_space<semaphore_mem>>) src(%arg9 : memref<128x32xf32, #tpu.memory_space<vmem>>) dst(%dma_wait3A_110 : memref<10112x32xf32, #tpu.memory_space<vmem_shared>>)
    %dma_wait3A_111 = arith.constant 0 : i32
    %dma_wait3A_112 = arith.constant 0 : i32
    %dma_wait3A_113 = tpu.memref_slice %arg8[%dma_wait3A_111, %dma_wait3A_112] : memref<80x128xi32, #tpu.memory_space<vmem>> -> memref<1x128xi32, #tpu.memory_space<vmem>>
    %dma_wait3A_114 = tpu.memref_squeeze %dma_wait3A_113 : memref<1x128xi32, #tpu.memory_space<vmem>> -> memref<128xi32, #tpu.memory_space<vmem>>
    %dma_wait3A_115 = arith.constant 0 : i32
    %dma_wait3A_116 = arith.constant 0 : i32
    %dma_wait3A_117 = tpu.memref_slice %arg12[%dma_wait3A_115, %dma_wait3A_116] : memref<10112x32xf32, #tpu.memory_space<vmem_shared>> -> memref<10112x32xf32, #tpu.memory_space<vmem_shared>>
    tpu.wait_indirect_dma semaphore(%arg16 : memref<!tpu.dma_semaphore, #tpu.memory_space<semaphore_mem>>) src(%arg10 : memref<128x32xf32, #tpu.memory_space<vmem>>) dst(%dma_wait3A_117 : memref<10112x32xf32, #tpu.memory_space<vmem_shared>>)
    %barrier3A_118 = arith.constant 0 : index
    tpu.barrier barrier_id(%barrier3A_118)
    %lt3A = arith.constant 15 : i32
    %lt3A_119 = arith.cmpi slt, %arg1, %lt3A : i32
    %convert_element_type3A = arith.extui %lt3A_119 : i1 to i32
    %cond3A = arith.constant 0 : i32
    %cond3A_120 = arith.cmpi ne, %convert_element_type3A, %cond3A : i32
    scf.if %cond3A_120 {
      %mul3A_125 = arith.constant 624 : i32
      %mul3A_126 = arith.muli %arg1, %mul3A_125 : i32
      "tpu.region"() ({
        %run_scoped3A = tpu.sem_alloc : memref<!tpu.dma_semaphore, #tpu.memory_space<semaphore_mem>>
        %dma_start3A_127 = arith.constant 0 : i32
        %dma_start3A_128 = tpu.memref_slice %arg5[%arg0, %mul3A_126, %dma_start3A_127] : memref<2x10000x32xf32, #tpu.memory_space<hbm>> -> memref<1x624x32xf32, #tpu.memory_space<hbm>>
        %dma_start3A_129 = tpu.memref_squeeze %dma_start3A_128 : memref<1x624x32xf32, #tpu.memory_space<hbm>> -> memref<624x32xf32, #tpu.memory_space<hbm>>
        %dma_start3A_130 = arith.constant 0 : i32
        %dma_start3A_131 = tpu.memref_slice %arg12[%mul3A_126, %dma_start3A_130] : memref<10112x32xf32, #tpu.memory_space<vmem_shared>> -> memref<624x32xf32, #tpu.memory_space<vmem_shared>>
        tpu.enqueue_dma source(%dma_start3A_131 : memref<624x32xf32, #tpu.memory_space<vmem_shared>>) target(%dma_start3A_129 : memref<624x32xf32, #tpu.memory_space<hbm>>) target_semaphore(%run_scoped3A : memref<!tpu.dma_semaphore, #tpu.memory_space<semaphore_mem>>)
        %dma_wait3A_132 = arith.constant 0 : i32
        %dma_wait3A_133 = tpu.memref_slice %arg5[%arg0, %mul3A_126, %dma_wait3A_132] : memref<2x10000x32xf32, #tpu.memory_space<hbm>> -> memref<1x624x32xf32, #tpu.memory_space<hbm>>
        %dma_wait3A_134 = tpu.memref_squeeze %dma_wait3A_133 : memref<1x624x32xf32, #tpu.memory_space<hbm>> -> memref<624x32xf32, #tpu.memory_space<hbm>>
        %dma_wait3A_135 = arith.constant 0 : i32
        %dma_wait3A_136 = tpu.memref_slice %arg12[%mul3A_126, %dma_wait3A_135] : memref<10112x32xf32, #tpu.memory_space<vmem_shared>> -> memref<624x32xf32, #tpu.memory_space<vmem_shared>>
        tpu.wait_dma2 semaphore(%run_scoped3A : memref<!tpu.dma_semaphore, #tpu.memory_space<semaphore_mem>>) src(%dma_wait3A_136 : memref<624x32xf32, #tpu.memory_space<vmem_shared>>) dst(%dma_wait3A_134 : memref<624x32xf32, #tpu.memory_space<hbm>>)
        tpu.yield
      }) : () -> ()
      "tpu.region"() ({
        %run_scoped3A = tpu.sem_alloc : memref<!tpu.dma_semaphore, #tpu.memory_space<semaphore_mem>>
        %dma_start3A_127 = arith.constant 0 : i32
        %dma_start3A_128 = tpu.memref_slice %arg6[%arg0, %mul3A_126, %dma_start3A_127] : memref<2x10000x16xf32, #tpu.memory_space<hbm>> -> memref<1x624x16xf32, #tpu.memory_space<hbm>>
        %dma_start3A_129 = tpu.memref_squeeze %dma_start3A_128 : memref<1x624x16xf32, #tpu.memory_space<hbm>> -> memref<624x16xf32, #tpu.memory_space<hbm>>
        %dma_start3A_130 = arith.constant 0 : i32
        %dma_start3A_131 = tpu.memref_slice %arg19[%mul3A_126, %dma_start3A_130] : memref<10112x16xf32, #tpu.memory_space<vmem_shared>> -> memref<624x16xf32, #tpu.memory_space<vmem_shared>>
        tpu.enqueue_dma source(%dma_start3A_131 : memref<624x16xf32, #tpu.memory_space<vmem_shared>>) target(%dma_start3A_129 : memref<624x16xf32, #tpu.memory_space<hbm>>) target_semaphore(%run_scoped3A : memref<!tpu.dma_semaphore, #tpu.memory_space<semaphore_mem>>)
        %dma_wait3A_132 = arith.constant 0 : i32
        %dma_wait3A_133 = tpu.memref_slice %arg6[%arg0, %mul3A_126, %dma_wait3A_132] : memref<2x10000x16xf32, #tpu.memory_space<hbm>> -> memref<1x624x16xf32, #tpu.memory_space<hbm>>
        %dma_wait3A_134 = tpu.memref_squeeze %dma_wait3A_133 : memref<1x624x16xf32, #tpu.memory_space<hbm>> -> memref<624x16xf32, #tpu.memory_space<hbm>>
        %dma_wait3A_135 = arith.constant 0 : i32
        %dma_wait3A_136 = tpu.memref_slice %arg19[%mul3A_126, %dma_wait3A_135] : memref<10112x16xf32, #tpu.memory_space<vmem_shared>> -> memref<624x16xf32, #tpu.memory_space<vmem_shared>>
        tpu.wait_dma2 semaphore(%run_scoped3A : memref<!tpu.dma_semaphore, #tpu.memory_space<semaphore_mem>>) src(%dma_wait3A_136 : memref<624x16xf32, #tpu.memory_space<vmem_shared>>) dst(%dma_wait3A_134 : memref<624x16xf32, #tpu.memory_space<hbm>>)
        tpu.yield
      }) : () -> ()
    } else {
    }
    %eq3A = arith.constant 15 : i32
    %eq3A_121 = arith.cmpi eq, %arg1, %eq3A : i32
    %convert_element_type3A_122 = arith.extui %eq3A_121 : i1 to i32
    %cond3A_123 = arith.constant 0 : i32
    %cond3A_124 = arith.cmpi ne, %convert_element_type3A_122, %cond3A_123 : i32
    scf.if %cond3A_124 {
      "tpu.region"() ({
        %run_scoped3A = tpu.sem_alloc : memref<!tpu.dma_semaphore, #tpu.memory_space<semaphore_mem>>
        %dma_start3A_125 = arith.constant 9360 : i32
        %dma_start3A_126 = arith.constant 0 : i32
        %dma_start3A_127 = tpu.memref_slice %arg5[%arg0, %dma_start3A_125, %dma_start3A_126] : memref<2x10000x32xf32, #tpu.memory_space<hbm>> -> memref<1x640x32xf32, #tpu.memory_space<hbm>>
        %dma_start3A_128 = tpu.memref_squeeze %dma_start3A_127 : memref<1x640x32xf32, #tpu.memory_space<hbm>> -> memref<640x32xf32, #tpu.memory_space<hbm>>
        %dma_start3A_129 = arith.constant 9360 : i32
        %dma_start3A_130 = arith.constant 0 : i32
        %dma_start3A_131 = tpu.memref_slice %arg12[%dma_start3A_129, %dma_start3A_130] : memref<10112x32xf32, #tpu.memory_space<vmem_shared>> -> memref<640x32xf32, #tpu.memory_space<vmem_shared>>
        tpu.enqueue_dma source(%dma_start3A_131 : memref<640x32xf32, #tpu.memory_space<vmem_shared>>) target(%dma_start3A_128 : memref<640x32xf32, #tpu.memory_space<hbm>>) target_semaphore(%run_scoped3A : memref<!tpu.dma_semaphore, #tpu.memory_space<semaphore_mem>>)
        %dma_wait3A_132 = arith.constant 9360 : i32
        %dma_wait3A_133 = arith.constant 0 : i32
        %dma_wait3A_134 = tpu.memref_slice %arg5[%arg0, %dma_wait3A_132, %dma_wait3A_133] : memref<2x10000x32xf32, #tpu.memory_space<hbm>> -> memref<1x640x32xf32, #tpu.memory_space<hbm>>
        %dma_wait3A_135 = tpu.memref_squeeze %dma_wait3A_134 : memref<1x640x32xf32, #tpu.memory_space<hbm>> -> memref<640x32xf32, #tpu.memory_space<hbm>>
        %dma_wait3A_136 = arith.constant 9360 : i32
        %dma_wait3A_137 = arith.constant 0 : i32
        %dma_wait3A_138 = tpu.memref_slice %arg12[%dma_wait3A_136, %dma_wait3A_137] : memref<10112x32xf32, #tpu.memory_space<vmem_shared>> -> memref<640x32xf32, #tpu.memory_space<vmem_shared>>
        tpu.wait_dma2 semaphore(%run_scoped3A : memref<!tpu.dma_semaphore, #tpu.memory_space<semaphore_mem>>) src(%dma_wait3A_138 : memref<640x32xf32, #tpu.memory_space<vmem_shared>>) dst(%dma_wait3A_135 : memref<640x32xf32, #tpu.memory_space<hbm>>)
        tpu.yield
      }) : () -> ()
      "tpu.region"() ({
        %run_scoped3A = tpu.sem_alloc : memref<!tpu.dma_semaphore, #tpu.memory_space<semaphore_mem>>
        %dma_start3A_125 = arith.constant 9360 : i32
        %dma_start3A_126 = arith.constant 0 : i32
        %dma_start3A_127 = tpu.memref_slice %arg6[%arg0, %dma_start3A_125, %dma_start3A_126] : memref<2x10000x16xf32, #tpu.memory_space<hbm>> -> memref<1x640x16xf32, #tpu.memory_space<hbm>>
        %dma_start3A_128 = tpu.memref_squeeze %dma_start3A_127 : memref<1x640x16xf32, #tpu.memory_space<hbm>> -> memref<640x16xf32, #tpu.memory_space<hbm>>
        %dma_start3A_129 = arith.constant 9360 : i32
        %dma_start3A_130 = arith.constant 0 : i32
        %dma_start3A_131 = tpu.memref_slice %arg19[%dma_start3A_129, %dma_start3A_130] : memref<10112x16xf32, #tpu.memory_space<vmem_shared>> -> memref<640x16xf32, #tpu.memory_space<vmem_shared>>
        tpu.enqueue_dma source(%dma_start3A_131 : memref<640x16xf32, #tpu.memory_space<vmem_shared>>) target(%dma_start3A_128 : memref<640x16xf32, #tpu.memory_space<hbm>>) target_semaphore(%run_scoped3A : memref<!tpu.dma_semaphore, #tpu.memory_space<semaphore_mem>>)
        %dma_wait3A_132 = arith.constant 9360 : i32
        %dma_wait3A_133 = arith.constant 0 : i32
        %dma_wait3A_134 = tpu.memref_slice %arg6[%arg0, %dma_wait3A_132, %dma_wait3A_133] : memref<2x10000x16xf32, #tpu.memory_space<hbm>> -> memref<1x640x16xf32, #tpu.memory_space<hbm>>
        %dma_wait3A_135 = tpu.memref_squeeze %dma_wait3A_134 : memref<1x640x16xf32, #tpu.memory_space<hbm>> -> memref<640x16xf32, #tpu.memory_space<hbm>>
        %dma_wait3A_136 = arith.constant 9360 : i32
        %dma_wait3A_137 = arith.constant 0 : i32
        %dma_wait3A_138 = tpu.memref_slice %arg19[%dma_wait3A_136, %dma_wait3A_137] : memref<10112x16xf32, #tpu.memory_space<vmem_shared>> -> memref<640x16xf32, #tpu.memory_space<vmem_shared>>
        tpu.wait_dma2 semaphore(%run_scoped3A : memref<!tpu.dma_semaphore, #tpu.memory_space<semaphore_mem>>) src(%dma_wait3A_138 : memref<640x16xf32, #tpu.memory_space<vmem_shared>>) dst(%dma_wait3A_135 : memref<640x16xf32, #tpu.memory_space<hbm>>)
        tpu.yield
      }) : () -> ()
    } else {
    }
    return
  }
}

#map = affine_map<(d0, d1) -> (0, 0)>
#map1 = affine_map<(d0, d1) -> (0, 0, 0)>
module attributes {stable_mosaic.version = 14 : i64} {
  func.func @seg(%arg0: i32, %arg1: i32, %arg2: memref<10016x16xf32, #tpu.memory_space<hbm>>, %arg3: memref<2560x128xi32, #tpu.memory_space<hbm>>, %arg4: memref<2560x128xi32, #tpu.memory_space<hbm>>, %arg5: memref<2x10000x16xf32, #tpu.memory_space<hbm>>, %arg6: memref<80x128xi32, #tpu.memory_space<vmem>>, %arg7: memref<80x128xi32, #tpu.memory_space<vmem>>, %arg8: memref<128x16xf32, #tpu.memory_space<vmem>>, %arg9: memref<128x16xf32, #tpu.memory_space<vmem>>, %arg10: memref<632x16xf32, #tpu.memory_space<vmem>>, %arg11: memref<10112x16xf32, #tpu.memory_space<vmem_shared>>, %arg12: memref<!tpu.dma_semaphore, #tpu.memory_space<semaphore_mem>>, %arg13: memref<!tpu.dma_semaphore, #tpu.memory_space<semaphore_mem>>, %arg14: memref<!tpu.dma_semaphore, #tpu.memory_space<semaphore_mem>>, %arg15: memref<!tpu.dma_semaphore, #tpu.memory_space<semaphore_mem>>) attributes {dimension_semantics = [#tpu.dimension_semantics<core_parallel>, #tpu.dimension_semantics<subcore_parallel>], iteration_bounds = array<i64: 2, 16>, scalar_prefetch = 0 : i64, scratch_operands = 10 : i64, tpu.core_type = #tpu.core_type<sc_vector_subcore>, window_params = [{transform_indices = #map}, {transform_indices = #map}, {transform_indices = #map}, {transform_indices = #map1}]} {
    %mul3A = arith.constant 16 : i32
    %mul3A_0 = arith.muli %arg0, %mul3A : i32
    %add3A = arith.addi %mul3A_0, %arg1 : i32
    %mul3A_1 = arith.constant 80 : i32
    %mul3A_2 = arith.muli %add3A, %mul3A_1 : i32
    "tpu.region"() ({
      %run_scoped3A = tpu.sem_alloc : memref<!tpu.dma_semaphore, #tpu.memory_space<semaphore_mem>>
      %dma_start3A_81 = arith.constant 0 : i32
      %dma_start3A_82 = tpu.memref_slice %arg3[%mul3A_2, %dma_start3A_81] : memref<2560x128xi32, #tpu.memory_space<hbm>> -> memref<80x128xi32, #tpu.memory_space<hbm>>
      %dma_start3A_83 = arith.constant 0 : i32
      %dma_start3A_84 = tpu.memref_slice %arg3[%mul3A_2, %dma_start3A_83] : memref<2560x128xi32, #tpu.memory_space<hbm>> -> memref<80x128xi32, #tpu.memory_space<hbm>>
      tpu.enqueue_dma source(%dma_start3A_84 : memref<80x128xi32, #tpu.memory_space<hbm>>) target(%arg6 : memref<80x128xi32, #tpu.memory_space<vmem>>) target_semaphore(%run_scoped3A : memref<!tpu.dma_semaphore, #tpu.memory_space<semaphore_mem>>)
      %dma_wait3A_85 = arith.constant 0 : i32
      %dma_wait3A_86 = tpu.memref_slice %arg3[%mul3A_2, %dma_wait3A_85] : memref<2560x128xi32, #tpu.memory_space<hbm>> -> memref<80x128xi32, #tpu.memory_space<hbm>>
      %dma_wait3A_87 = arith.constant 0 : i32
      %dma_wait3A_88 = tpu.memref_slice %arg3[%mul3A_2, %dma_wait3A_87] : memref<2560x128xi32, #tpu.memory_space<hbm>> -> memref<80x128xi32, #tpu.memory_space<hbm>>
      tpu.wait_dma2 semaphore(%run_scoped3A : memref<!tpu.dma_semaphore, #tpu.memory_space<semaphore_mem>>) src(%dma_wait3A_88 : memref<80x128xi32, #tpu.memory_space<hbm>>) dst(%arg6 : memref<80x128xi32, #tpu.memory_space<vmem>>)
      tpu.yield
    }) : () -> ()
    %mul3A_3 = arith.constant 80 : i32
    %mul3A_4 = arith.muli %add3A, %mul3A_3 : i32
    "tpu.region"() ({
      %run_scoped3A = tpu.sem_alloc : memref<!tpu.dma_semaphore, #tpu.memory_space<semaphore_mem>>
      %dma_start3A_81 = arith.constant 0 : i32
      %dma_start3A_82 = tpu.memref_slice %arg4[%mul3A_4, %dma_start3A_81] : memref<2560x128xi32, #tpu.memory_space<hbm>> -> memref<80x128xi32, #tpu.memory_space<hbm>>
      %dma_start3A_83 = arith.constant 0 : i32
      %dma_start3A_84 = tpu.memref_slice %arg4[%mul3A_4, %dma_start3A_83] : memref<2560x128xi32, #tpu.memory_space<hbm>> -> memref<80x128xi32, #tpu.memory_space<hbm>>
      tpu.enqueue_dma source(%dma_start3A_84 : memref<80x128xi32, #tpu.memory_space<hbm>>) target(%arg7 : memref<80x128xi32, #tpu.memory_space<vmem>>) target_semaphore(%run_scoped3A : memref<!tpu.dma_semaphore, #tpu.memory_space<semaphore_mem>>)
      %dma_wait3A_85 = arith.constant 0 : i32
      %dma_wait3A_86 = tpu.memref_slice %arg4[%mul3A_4, %dma_wait3A_85] : memref<2560x128xi32, #tpu.memory_space<hbm>> -> memref<80x128xi32, #tpu.memory_space<hbm>>
      %dma_wait3A_87 = arith.constant 0 : i32
      %dma_wait3A_88 = tpu.memref_slice %arg4[%mul3A_4, %dma_wait3A_87] : memref<2560x128xi32, #tpu.memory_space<hbm>> -> memref<80x128xi32, #tpu.memory_space<hbm>>
      tpu.wait_dma2 semaphore(%run_scoped3A : memref<!tpu.dma_semaphore, #tpu.memory_space<semaphore_mem>>) src(%dma_wait3A_88 : memref<80x128xi32, #tpu.memory_space<hbm>>) dst(%arg7 : memref<80x128xi32, #tpu.memory_space<vmem>>)
      tpu.yield
    }) : () -> ()
    %scan3A = arith.constant 0 : i32
    %scan3A_5 = arith.constant 0 : i32
    %scan3A_6 = arith.constant 632 : i32
    %scan3A_7 = arith.addi %scan3A_5, %scan3A_6 : i32
    %scan3A_8 = arith.constant 1 : i32
    %scan3A_9 = scf.for %scan3A_81 = %scan3A_5 to %scan3A_7 step %scan3A_8 iter_args(%scan3A_82 = %scan3A) -> (i32)  : i32 {
      %broadcast_in_dim3A = arith.constant 0.000000e+00 : f32
      %broadcast_in_dim3A_83 = vector.broadcast %broadcast_in_dim3A : f32 to vector<16xf32>
      %swap3A = arith.index_cast %scan3A_81 : i32 to index
      %swap3A_84 = arith.constant 0 : index
      %swap3A_85 = tpu.vector_load %arg10[%swap3A, %swap3A_84] {strides = array<i32>} : memref<632x16xf32, #tpu.memory_space<vmem>>, vector<1x16xf32>,
      %swap3A_86 = vector.shape_cast %swap3A_85 : vector<1x16xf32> to vector<16xf32>
      %swap3A_87 = vector.shape_cast %broadcast_in_dim3A_83 : vector<16xf32> to vector<1x16xf32>
      tpu.vector_store %arg10[%swap3A, %swap3A_84], %swap3A_87 {strides = array<i32>} : memref<632x16xf32, #tpu.memory_space<vmem>>, vector<1x16xf32>,
      %scan3A_88 = arith.constant 0 : i32
      scf.yield %scan3A_88 : i32
    }
    %scan3A_10 = arith.constant 632 : i32
    %mul3A_11 = arith.constant 632 : i32
    %mul3A_12 = arith.muli %arg1, %mul3A_11 : i32
    "tpu.region"() ({
      %run_scoped3A = tpu.sem_alloc : memref<!tpu.dma_semaphore, #tpu.memory_space<semaphore_mem>>
      %dma_start3A_81 = arith.constant 0 : i32
      %dma_start3A_82 = tpu.memref_slice %arg11[%mul3A_12, %dma_start3A_81] : memref<10112x16xf32, #tpu.memory_space<vmem_shared>> -> memref<632x16xf32, #tpu.memory_space<vmem_shared>>
      %dma_start3A_83 = arith.constant 0 : i32
      %dma_start3A_84 = tpu.memref_slice %arg11[%mul3A_12, %dma_start3A_83] : memref<10112x16xf32, #tpu.memory_space<vmem_shared>> -> memref<632x16xf32, #tpu.memory_space<vmem_shared>>
      tpu.enqueue_dma source(%arg10 : memref<632x16xf32, #tpu.memory_space<vmem>>) target(%dma_start3A_84 : memref<632x16xf32, #tpu.memory_space<vmem_shared>>) target_semaphore(%run_scoped3A : memref<!tpu.dma_semaphore, #tpu.memory_space<semaphore_mem>>)
      %dma_wait3A_85 = arith.constant 0 : i32
      %dma_wait3A_86 = tpu.memref_slice %arg11[%mul3A_12, %dma_wait3A_85] : memref<10112x16xf32, #tpu.memory_space<vmem_shared>> -> memref<632x16xf32, #tpu.memory_space<vmem_shared>>
      %dma_wait3A_87 = arith.constant 0 : i32
      %dma_wait3A_88 = tpu.memref_slice %arg11[%mul3A_12, %dma_wait3A_87] : memref<10112x16xf32, #tpu.memory_space<vmem_shared>> -> memref<632x16xf32, #tpu.memory_space<vmem_shared>>
      tpu.wait_dma2 semaphore(%run_scoped3A : memref<!tpu.dma_semaphore, #tpu.memory_space<semaphore_mem>>) src(%arg10 : memref<632x16xf32, #tpu.memory_space<vmem>>) dst(%dma_wait3A_88 : memref<632x16xf32, #tpu.memory_space<vmem_shared>>)
      tpu.yield
    }) : () -> ()
    %barrier3A = arith.constant 0 : index
    tpu.barrier barrier_id(%barrier3A)
    %dma_start3A = arith.constant 0 : i32
    %dma_start3A_13 = arith.constant 0 : i32
    %dma_start3A_14 = tpu.memref_slice %arg6[%dma_start3A, %dma_start3A_13] : memref<80x128xi32, #tpu.memory_space<vmem>> -> memref<1x128xi32, #tpu.memory_space<vmem>>
    %dma_start3A_15 = tpu.memref_squeeze %dma_start3A_14 : memref<1x128xi32, #tpu.memory_space<vmem>> -> memref<128xi32, #tpu.memory_space<vmem>>
    %dma_start3A_16 = arith.constant 0 : i32
    %dma_start3A_17 = arith.constant 0 : i32
    %dma_start3A_18 = tpu.memref_slice %arg2[%dma_start3A_16, %dma_start3A_17] : memref<10016x16xf32, #tpu.memory_space<hbm>> -> memref<10016x16xf32, #tpu.memory_space<hbm>>
    tpu.enqueue_indirect_dma source(%dma_start3A_18 : memref<10016x16xf32, #tpu.memory_space<hbm>>) target(%arg8 : memref<128x16xf32, #tpu.memory_space<vmem>>) offsets(%dma_start3A_15 : memref<128xi32, #tpu.memory_space<vmem>>) semaphore(%arg12 : memref<!tpu.dma_semaphore, #tpu.memory_space<semaphore_mem>>)
    %dma_start3A_19 = arith.constant 1 : i32
    %dma_start3A_20 = arith.constant 0 : i32
    %dma_start3A_21 = tpu.memref_slice %arg6[%dma_start3A_19, %dma_start3A_20] : memref<80x128xi32, #tpu.memory_space<vmem>> -> memref<1x128xi32, #tpu.memory_space<vmem>>
    %dma_start3A_22 = tpu.memref_squeeze %dma_start3A_21 : memref<1x128xi32, #tpu.memory_space<vmem>> -> memref<128xi32, #tpu.memory_space<vmem>>
    %dma_start3A_23 = arith.constant 0 : i32
    %dma_start3A_24 = arith.constant 0 : i32
    %dma_start3A_25 = tpu.memref_slice %arg2[%dma_start3A_23, %dma_start3A_24] : memref<10016x16xf32, #tpu.memory_space<hbm>> -> memref<10016x16xf32, #tpu.memory_space<hbm>>
    tpu.enqueue_indirect_dma source(%dma_start3A_25 : memref<10016x16xf32, #tpu.memory_space<hbm>>) target(%arg9 : memref<128x16xf32, #tpu.memory_space<vmem>>) offsets(%dma_start3A_22 : memref<128xi32, #tpu.memory_space<vmem>>) semaphore(%arg13 : memref<!tpu.dma_semaphore, #tpu.memory_space<semaphore_mem>>)
    %scan3A_26 = arith.constant 0 : i32
    %scan3A_27 = arith.constant 0 : i32
    %scan3A_28 = arith.constant 39 : i32
    %scan3A_29 = arith.addi %scan3A_27, %scan3A_28 : i32
    %scan3A_30 = arith.constant 1 : i32
    %scan3A_31 = scf.for %scan3A_81 = %scan3A_27 to %scan3A_29 step %scan3A_30 iter_args(%scan3A_82 = %scan3A_26) -> (i32)  : i32 {
      %mul3A_83 = arith.constant 2 : i32
      %mul3A_84 = arith.muli %mul3A_83, %scan3A_81 : i32
      %dma_wait3A_85 = arith.constant 0 : i32
      %dma_wait3A_86 = arith.constant 0 : i32
      %dma_wait3A_87 = tpu.memref_slice %arg6[%dma_wait3A_85, %dma_wait3A_86] : memref<80x128xi32, #tpu.memory_space<vmem>> -> memref<1x128xi32, #tpu.memory_space<vmem>>
      %dma_wait3A_88 = tpu.memref_squeeze %dma_wait3A_87 : memref<1x128xi32, #tpu.memory_space<vmem>> -> memref<128xi32, #tpu.memory_space<vmem>>
      %dma_wait3A_89 = arith.constant 0 : i32
      %dma_wait3A_90 = arith.constant 0 : i32
      %dma_wait3A_91 = tpu.memref_slice %arg2[%dma_wait3A_89, %dma_wait3A_90] : memref<10016x16xf32, #tpu.memory_space<hbm>> -> memref<10016x16xf32, #tpu.memory_space<hbm>>
      tpu.wait_indirect_dma semaphore(%arg12 : memref<!tpu.dma_semaphore, #tpu.memory_space<semaphore_mem>>) src(%dma_wait3A_91 : memref<10016x16xf32, #tpu.memory_space<hbm>>) dst(%arg8 : memref<128x16xf32, #tpu.memory_space<vmem>>)
      %dma_start3A_92 = arith.constant 0 : i32
      %dma_start3A_93 = tpu.memref_slice %arg7[%mul3A_84, %dma_start3A_92] : memref<80x128xi32, #tpu.memory_space<vmem>> -> memref<1x128xi32, #tpu.memory_space<vmem>>
      %dma_start3A_94 = tpu.memref_squeeze %dma_start3A_93 : memref<1x128xi32, #tpu.memory_space<vmem>> -> memref<128xi32, #tpu.memory_space<vmem>>
      %dma_start3A_95 = arith.constant 0 : i32
      %dma_start3A_96 = arith.constant 0 : i32
      %dma_start3A_97 = tpu.memref_slice %arg11[%dma_start3A_95, %dma_start3A_96] : memref<10112x16xf32, #tpu.memory_space<vmem_shared>> -> memref<10112x16xf32, #tpu.memory_space<vmem_shared>>
      tpu.enqueue_indirect_dma source(%arg8 : memref<128x16xf32, #tpu.memory_space<vmem>>) target(%dma_start3A_97 : memref<10112x16xf32, #tpu.memory_space<vmem_shared>>) offsets(%dma_start3A_94 : memref<128xi32, #tpu.memory_space<vmem>>) semaphore(%arg14 : memref<!tpu.dma_semaphore, #tpu.memory_space<semaphore_mem>>) {add = true}
      %dma_wait3A_98 = arith.constant 0 : i32
      %dma_wait3A_99 = arith.constant 0 : i32
      %dma_wait3A_100 = tpu.memref_slice %arg6[%dma_wait3A_98, %dma_wait3A_99] : memref<80x128xi32, #tpu.memory_space<vmem>> -> memref<1x128xi32, #tpu.memory_space<vmem>>
      %dma_wait3A_101 = tpu.memref_squeeze %dma_wait3A_100 : memref<1x128xi32, #tpu.memory_space<vmem>> -> memref<128xi32, #tpu.memory_space<vmem>>
      %dma_wait3A_102 = arith.constant 0 : i32
      %dma_wait3A_103 = arith.constant 0 : i32
      %dma_wait3A_104 = tpu.memref_slice %arg2[%dma_wait3A_102, %dma_wait3A_103] : memref<10016x16xf32, #tpu.memory_space<hbm>> -> memref<10016x16xf32, #tpu.memory_space<hbm>>
      tpu.wait_indirect_dma semaphore(%arg13 : memref<!tpu.dma_semaphore, #tpu.memory_space<semaphore_mem>>) src(%dma_wait3A_104 : memref<10016x16xf32, #tpu.memory_space<hbm>>) dst(%arg9 : memref<128x16xf32, #tpu.memory_space<vmem>>)
      %add3A_105 = arith.constant 1 : i32
      %add3A_106 = arith.addi %mul3A_84, %add3A_105 : i32
      %dma_start3A_107 = arith.constant 0 : i32
      %dma_start3A_108 = tpu.memref_slice %arg7[%add3A_106, %dma_start3A_107] : memref<80x128xi32, #tpu.memory_space<vmem>> -> memref<1x128xi32, #tpu.memory_space<vmem>>
      %dma_start3A_109 = tpu.memref_squeeze %dma_start3A_108 : memref<1x128xi32, #tpu.memory_space<vmem>> -> memref<128xi32, #tpu.memory_space<vmem>>
      %dma_start3A_110 = arith.constant 0 : i32
      %dma_start3A_111 = arith.constant 0 : i32
      %dma_start3A_112 = tpu.memref_slice %arg11[%dma_start3A_110, %dma_start3A_111] : memref<10112x16xf32, #tpu.memory_space<vmem_shared>> -> memref<10112x16xf32, #tpu.memory_space<vmem_shared>>
      tpu.enqueue_indirect_dma source(%arg9 : memref<128x16xf32, #tpu.memory_space<vmem>>) target(%dma_start3A_112 : memref<10112x16xf32, #tpu.memory_space<vmem_shared>>) offsets(%dma_start3A_109 : memref<128xi32, #tpu.memory_space<vmem>>) semaphore(%arg15 : memref<!tpu.dma_semaphore, #tpu.memory_space<semaphore_mem>>) {add = true}
      %dma_wait3A_113 = arith.constant 0 : i32
      %dma_wait3A_114 = arith.constant 0 : i32
      %dma_wait3A_115 = tpu.memref_slice %arg7[%dma_wait3A_113, %dma_wait3A_114] : memref<80x128xi32, #tpu.memory_space<vmem>> -> memref<1x128xi32, #tpu.memory_space<vmem>>
      %dma_wait3A_116 = tpu.memref_squeeze %dma_wait3A_115 : memref<1x128xi32, #tpu.memory_space<vmem>> -> memref<128xi32, #tpu.memory_space<vmem>>
      %dma_wait3A_117 = arith.constant 0 : i32
      %dma_wait3A_118 = arith.constant 0 : i32
      %dma_wait3A_119 = tpu.memref_slice %arg11[%dma_wait3A_117, %dma_wait3A_118] : memref<10112x16xf32, #tpu.memory_space<vmem_shared>> -> memref<10112x16xf32, #tpu.memory_space<vmem_shared>>
      tpu.wait_indirect_dma semaphore(%arg14 : memref<!tpu.dma_semaphore, #tpu.memory_space<semaphore_mem>>) src(%arg8 : memref<128x16xf32, #tpu.memory_space<vmem>>) dst(%dma_wait3A_119 : memref<10112x16xf32, #tpu.memory_space<vmem_shared>>)
      %add3A_120 = arith.constant 2 : i32
      %add3A_121 = arith.addi %mul3A_84, %add3A_120 : i32
      %dma_start3A_122 = arith.constant 0 : i32
      %dma_start3A_123 = tpu.memref_slice %arg6[%add3A_121, %dma_start3A_122] : memref<80x128xi32, #tpu.memory_space<vmem>> -> memref<1x128xi32, #tpu.memory_space<vmem>>
      %dma_start3A_124 = tpu.memref_squeeze %dma_start3A_123 : memref<1x128xi32, #tpu.memory_space<vmem>> -> memref<128xi32, #tpu.memory_space<vmem>>
      %dma_start3A_125 = arith.constant 0 : i32
      %dma_start3A_126 = arith.constant 0 : i32
      %dma_start3A_127 = tpu.memref_slice %arg2[%dma_start3A_125, %dma_start3A_126] : memref<10016x16xf32, #tpu.memory_space<hbm>> -> memref<10016x16xf32, #tpu.memory_space<hbm>>
      tpu.enqueue_indirect_dma source(%dma_start3A_127 : memref<10016x16xf32, #tpu.memory_space<hbm>>) target(%arg8 : memref<128x16xf32, #tpu.memory_space<vmem>>) offsets(%dma_start3A_124 : memref<128xi32, #tpu.memory_space<vmem>>) semaphore(%arg12 : memref<!tpu.dma_semaphore, #tpu.memory_space<semaphore_mem>>)
      %dma_wait3A_128 = arith.constant 0 : i32
      %dma_wait3A_129 = arith.constant 0 : i32
      %dma_wait3A_130 = tpu.memref_slice %arg7[%dma_wait3A_128, %dma_wait3A_129] : memref<80x128xi32, #tpu.memory_space<vmem>> -> memref<1x128xi32, #tpu.memory_space<vmem>>
      %dma_wait3A_131 = tpu.memref_squeeze %dma_wait3A_130 : memref<1x128xi32, #tpu.memory_space<vmem>> -> memref<128xi32, #tpu.memory_space<vmem>>
      %dma_wait3A_132 = arith.constant 0 : i32
      %dma_wait3A_133 = arith.constant 0 : i32
      %dma_wait3A_134 = tpu.memref_slice %arg11[%dma_wait3A_132, %dma_wait3A_133] : memref<10112x16xf32, #tpu.memory_space<vmem_shared>> -> memref<10112x16xf32, #tpu.memory_space<vmem_shared>>
      tpu.wait_indirect_dma semaphore(%arg15 : memref<!tpu.dma_semaphore, #tpu.memory_space<semaphore_mem>>) src(%arg9 : memref<128x16xf32, #tpu.memory_space<vmem>>) dst(%dma_wait3A_134 : memref<10112x16xf32, #tpu.memory_space<vmem_shared>>)
      %add3A_135 = arith.constant 3 : i32
      %add3A_136 = arith.addi %mul3A_84, %add3A_135 : i32
      %dma_start3A_137 = arith.constant 0 : i32
      %dma_start3A_138 = tpu.memref_slice %arg6[%add3A_136, %dma_start3A_137] : memref<80x128xi32, #tpu.memory_space<vmem>> -> memref<1x128xi32, #tpu.memory_space<vmem>>
      %dma_start3A_139 = tpu.memref_squeeze %dma_start3A_138 : memref<1x128xi32, #tpu.memory_space<vmem>> -> memref<128xi32, #tpu.memory_space<vmem>>
      %dma_start3A_140 = arith.constant 0 : i32
      %dma_start3A_141 = arith.constant 0 : i32
      %dma_start3A_142 = tpu.memref_slice %arg2[%dma_start3A_140, %dma_start3A_141] : memref<10016x16xf32, #tpu.memory_space<hbm>> -> memref<10016x16xf32, #tpu.memory_space<hbm>>
      tpu.enqueue_indirect_dma source(%dma_start3A_142 : memref<10016x16xf32, #tpu.memory_space<hbm>>) target(%arg9 : memref<128x16xf32, #tpu.memory_space<vmem>>) offsets(%dma_start3A_139 : memref<128xi32, #tpu.memory_space<vmem>>) semaphore(%arg13 : memref<!tpu.dma_semaphore, #tpu.memory_space<semaphore_mem>>)
      %scan3A_143 = arith.constant 0 : i32
      scf.yield %scan3A_143 : i32
    }
    %scan3A_32 = arith.constant 39 : i32
    %dma_wait3A = arith.constant 0 : i32
    %dma_wait3A_33 = arith.constant 0 : i32
    %dma_wait3A_34 = tpu.memref_slice %arg6[%dma_wait3A, %dma_wait3A_33] : memref<80x128xi32, #tpu.memory_space<vmem>> -> memref<1x128xi32, #tpu.memory_space<vmem>>
    %dma_wait3A_35 = tpu.memref_squeeze %dma_wait3A_34 : memref<1x128xi32, #tpu.memory_space<vmem>> -> memref<128xi32, #tpu.memory_space<vmem>>
    %dma_wait3A_36 = arith.constant 0 : i32
    %dma_wait3A_37 = arith.constant 0 : i32
    %dma_wait3A_38 = tpu.memref_slice %arg2[%dma_wait3A_36, %dma_wait3A_37] : memref<10016x16xf32, #tpu.memory_space<hbm>> -> memref<10016x16xf32, #tpu.memory_space<hbm>>
    tpu.wait_indirect_dma semaphore(%arg12 : memref<!tpu.dma_semaphore, #tpu.memory_space<semaphore_mem>>) src(%dma_wait3A_38 : memref<10016x16xf32, #tpu.memory_space<hbm>>) dst(%arg8 : memref<128x16xf32, #tpu.memory_space<vmem>>)
    %dma_start3A_39 = arith.constant 78 : i32
    %dma_start3A_40 = arith.constant 0 : i32
    %dma_start3A_41 = tpu.memref_slice %arg7[%dma_start3A_39, %dma_start3A_40] : memref<80x128xi32, #tpu.memory_space<vmem>> -> memref<1x128xi32, #tpu.memory_space<vmem>>
    %dma_start3A_42 = tpu.memref_squeeze %dma_start3A_41 : memref<1x128xi32, #tpu.memory_space<vmem>> -> memref<128xi32, #tpu.memory_space<vmem>>
    %dma_start3A_43 = arith.constant 0 : i32
    %dma_start3A_44 = arith.constant 0 : i32
    %dma_start3A_45 = tpu.memref_slice %arg11[%dma_start3A_43, %dma_start3A_44] : memref<10112x16xf32, #tpu.memory_space<vmem_shared>> -> memref<10112x16xf32, #tpu.memory_space<vmem_shared>>
    tpu.enqueue_indirect_dma source(%arg8 : memref<128x16xf32, #tpu.memory_space<vmem>>) target(%dma_start3A_45 : memref<10112x16xf32, #tpu.memory_space<vmem_shared>>) offsets(%dma_start3A_42 : memref<128xi32, #tpu.memory_space<vmem>>) semaphore(%arg14 : memref<!tpu.dma_semaphore, #tpu.memory_space<semaphore_mem>>) {add = true}
    %dma_wait3A_46 = arith.constant 0 : i32
    %dma_wait3A_47 = arith.constant 0 : i32
    %dma_wait3A_48 = tpu.memref_slice %arg6[%dma_wait3A_46, %dma_wait3A_47] : memref<80x128xi32, #tpu.memory_space<vmem>> -> memref<1x128xi32, #tpu.memory_space<vmem>>
    %dma_wait3A_49 = tpu.memref_squeeze %dma_wait3A_48 : memref<1x128xi32, #tpu.memory_space<vmem>> -> memref<128xi32, #tpu.memory_space<vmem>>
    %dma_wait3A_50 = arith.constant 0 : i32
    %dma_wait3A_51 = arith.constant 0 : i32
    %dma_wait3A_52 = tpu.memref_slice %arg2[%dma_wait3A_50, %dma_wait3A_51] : memref<10016x16xf32, #tpu.memory_space<hbm>> -> memref<10016x16xf32, #tpu.memory_space<hbm>>
    tpu.wait_indirect_dma semaphore(%arg13 : memref<!tpu.dma_semaphore, #tpu.memory_space<semaphore_mem>>) src(%dma_wait3A_52 : memref<10016x16xf32, #tpu.memory_space<hbm>>) dst(%arg9 : memref<128x16xf32, #tpu.memory_space<vmem>>)
    %dma_start3A_53 = arith.constant 79 : i32
    %dma_start3A_54 = arith.constant 0 : i32
    %dma_start3A_55 = tpu.memref_slice %arg7[%dma_start3A_53, %dma_start3A_54] : memref<80x128xi32, #tpu.memory_space<vmem>> -> memref<1x128xi32, #tpu.memory_space<vmem>>
    %dma_start3A_56 = tpu.memref_squeeze %dma_start3A_55 : memref<1x128xi32, #tpu.memory_space<vmem>> -> memref<128xi32, #tpu.memory_space<vmem>>
    %dma_start3A_57 = arith.constant 0 : i32
    %dma_start3A_58 = arith.constant 0 : i32
    %dma_start3A_59 = tpu.memref_slice %arg11[%dma_start3A_57, %dma_start3A_58] : memref<10112x16xf32, #tpu.memory_space<vmem_shared>> -> memref<10112x16xf32, #tpu.memory_space<vmem_shared>>
    tpu.enqueue_indirect_dma source(%arg9 : memref<128x16xf32, #tpu.memory_space<vmem>>) target(%dma_start3A_59 : memref<10112x16xf32, #tpu.memory_space<vmem_shared>>) offsets(%dma_start3A_56 : memref<128xi32, #tpu.memory_space<vmem>>) semaphore(%arg15 : memref<!tpu.dma_semaphore, #tpu.memory_space<semaphore_mem>>) {add = true}
    %dma_wait3A_60 = arith.constant 0 : i32
    %dma_wait3A_61 = arith.constant 0 : i32
    %dma_wait3A_62 = tpu.memref_slice %arg7[%dma_wait3A_60, %dma_wait3A_61] : memref<80x128xi32, #tpu.memory_space<vmem>> -> memref<1x128xi32, #tpu.memory_space<vmem>>
    %dma_wait3A_63 = tpu.memref_squeeze %dma_wait3A_62 : memref<1x128xi32, #tpu.memory_space<vmem>> -> memref<128xi32, #tpu.memory_space<vmem>>
    %dma_wait3A_64 = arith.constant 0 : i32
    %dma_wait3A_65 = arith.constant 0 : i32
    %dma_wait3A_66 = tpu.memref_slice %arg11[%dma_wait3A_64, %dma_wait3A_65] : memref<10112x16xf32, #tpu.memory_space<vmem_shared>> -> memref<10112x16xf32, #tpu.memory_space<vmem_shared>>
    tpu.wait_indirect_dma semaphore(%arg14 : memref<!tpu.dma_semaphore, #tpu.memory_space<semaphore_mem>>) src(%arg8 : memref<128x16xf32, #tpu.memory_space<vmem>>) dst(%dma_wait3A_66 : memref<10112x16xf32, #tpu.memory_space<vmem_shared>>)
    %dma_wait3A_67 = arith.constant 0 : i32
    %dma_wait3A_68 = arith.constant 0 : i32
    %dma_wait3A_69 = tpu.memref_slice %arg7[%dma_wait3A_67, %dma_wait3A_68] : memref<80x128xi32, #tpu.memory_space<vmem>> -> memref<1x128xi32, #tpu.memory_space<vmem>>
    %dma_wait3A_70 = tpu.memref_squeeze %dma_wait3A_69 : memref<1x128xi32, #tpu.memory_space<vmem>> -> memref<128xi32, #tpu.memory_space<vmem>>
    %dma_wait3A_71 = arith.constant 0 : i32
    %dma_wait3A_72 = arith.constant 0 : i32
    %dma_wait3A_73 = tpu.memref_slice %arg11[%dma_wait3A_71, %dma_wait3A_72] : memref<10112x16xf32, #tpu.memory_space<vmem_shared>> -> memref<10112x16xf32, #tpu.memory_space<vmem_shared>>
    tpu.wait_indirect_dma semaphore(%arg15 : memref<!tpu.dma_semaphore, #tpu.memory_space<semaphore_mem>>) src(%arg9 : memref<128x16xf32, #tpu.memory_space<vmem>>) dst(%dma_wait3A_73 : memref<10112x16xf32, #tpu.memory_space<vmem_shared>>)
    %barrier3A_74 = arith.constant 0 : index
    tpu.barrier barrier_id(%barrier3A_74)
    %lt3A = arith.constant 15 : i32
    %lt3A_75 = arith.cmpi slt, %arg1, %lt3A : i32
    %convert_element_type3A = arith.extui %lt3A_75 : i1 to i32
    %cond3A = arith.constant 0 : i32
    %cond3A_76 = arith.cmpi ne, %convert_element_type3A, %cond3A : i32
    scf.if %cond3A_76 {
      %mul3A_81 = arith.constant 624 : i32
      %mul3A_82 = arith.muli %arg1, %mul3A_81 : i32
      "tpu.region"() ({
        %run_scoped3A = tpu.sem_alloc : memref<!tpu.dma_semaphore, #tpu.memory_space<semaphore_mem>>
        %dma_start3A_83 = arith.constant 0 : i32
        %dma_start3A_84 = tpu.memref_slice %arg5[%arg0, %mul3A_82, %dma_start3A_83] : memref<2x10000x16xf32, #tpu.memory_space<hbm>> -> memref<1x624x16xf32, #tpu.memory_space<hbm>>
        %dma_start3A_85 = tpu.memref_squeeze %dma_start3A_84 : memref<1x624x16xf32, #tpu.memory_space<hbm>> -> memref<624x16xf32, #tpu.memory_space<hbm>>
        %dma_start3A_86 = arith.constant 0 : i32
        %dma_start3A_87 = tpu.memref_slice %arg11[%mul3A_82, %dma_start3A_86] : memref<10112x16xf32, #tpu.memory_space<vmem_shared>> -> memref<624x16xf32, #tpu.memory_space<vmem_shared>>
        tpu.enqueue_dma source(%dma_start3A_87 : memref<624x16xf32, #tpu.memory_space<vmem_shared>>) target(%dma_start3A_85 : memref<624x16xf32, #tpu.memory_space<hbm>>) target_semaphore(%run_scoped3A : memref<!tpu.dma_semaphore, #tpu.memory_space<semaphore_mem>>)
        %dma_wait3A_88 = arith.constant 0 : i32
        %dma_wait3A_89 = tpu.memref_slice %arg5[%arg0, %mul3A_82, %dma_wait3A_88] : memref<2x10000x16xf32, #tpu.memory_space<hbm>> -> memref<1x624x16xf32, #tpu.memory_space<hbm>>
        %dma_wait3A_90 = tpu.memref_squeeze %dma_wait3A_89 : memref<1x624x16xf32, #tpu.memory_space<hbm>> -> memref<624x16xf32, #tpu.memory_space<hbm>>
        %dma_wait3A_91 = arith.constant 0 : i32
        %dma_wait3A_92 = tpu.memref_slice %arg11[%mul3A_82, %dma_wait3A_91] : memref<10112x16xf32, #tpu.memory_space<vmem_shared>> -> memref<624x16xf32, #tpu.memory_space<vmem_shared>>
        tpu.wait_dma2 semaphore(%run_scoped3A : memref<!tpu.dma_semaphore, #tpu.memory_space<semaphore_mem>>) src(%dma_wait3A_92 : memref<624x16xf32, #tpu.memory_space<vmem_shared>>) dst(%dma_wait3A_90 : memref<624x16xf32, #tpu.memory_space<hbm>>)
        tpu.yield
      }) : () -> ()
    } else {
    }
    %eq3A = arith.constant 15 : i32
    %eq3A_77 = arith.cmpi eq, %arg1, %eq3A : i32
    %convert_element_type3A_78 = arith.extui %eq3A_77 : i1 to i32
    %cond3A_79 = arith.constant 0 : i32
    %cond3A_80 = arith.cmpi ne, %convert_element_type3A_78, %cond3A_79 : i32
    scf.if %cond3A_80 {
      "tpu.region"() ({
        %run_scoped3A = tpu.sem_alloc : memref<!tpu.dma_semaphore, #tpu.memory_space<semaphore_mem>>
        %dma_start3A_81 = arith.constant 9360 : i32
        %dma_start3A_82 = arith.constant 0 : i32
        %dma_start3A_83 = tpu.memref_slice %arg5[%arg0, %dma_start3A_81, %dma_start3A_82] : memref<2x10000x16xf32, #tpu.memory_space<hbm>> -> memref<1x640x16xf32, #tpu.memory_space<hbm>>
        %dma_start3A_84 = tpu.memref_squeeze %dma_start3A_83 : memref<1x640x16xf32, #tpu.memory_space<hbm>> -> memref<640x16xf32, #tpu.memory_space<hbm>>
        %dma_start3A_85 = arith.constant 9360 : i32
        %dma_start3A_86 = arith.constant 0 : i32
        %dma_start3A_87 = tpu.memref_slice %arg11[%dma_start3A_85, %dma_start3A_86] : memref<10112x16xf32, #tpu.memory_space<vmem_shared>> -> memref<640x16xf32, #tpu.memory_space<vmem_shared>>
        tpu.enqueue_dma source(%dma_start3A_87 : memref<640x16xf32, #tpu.memory_space<vmem_shared>>) target(%dma_start3A_84 : memref<640x16xf32, #tpu.memory_space<hbm>>) target_semaphore(%run_scoped3A : memref<!tpu.dma_semaphore, #tpu.memory_space<semaphore_mem>>)
        %dma_wait3A_88 = arith.constant 9360 : i32
        %dma_wait3A_89 = arith.constant 0 : i32
        %dma_wait3A_90 = tpu.memref_slice %arg5[%arg0, %dma_wait3A_88, %dma_wait3A_89] : memref<2x10000x16xf32, #tpu.memory_space<hbm>> -> memref<1x640x16xf32, #tpu.memory_space<hbm>>
        %dma_wait3A_91 = tpu.memref_squeeze %dma_wait3A_90 : memref<1x640x16xf32, #tpu.memory_space<hbm>> -> memref<640x16xf32, #tpu.memory_space<hbm>>
        %dma_wait3A_92 = arith.constant 9360 : i32
        %dma_wait3A_93 = arith.constant 0 : i32
        %dma_wait3A_94 = tpu.memref_slice %arg11[%dma_wait3A_92, %dma_wait3A_93] : memref<10112x16xf32, #tpu.memory_space<vmem_shared>> -> memref<640x16xf32, #tpu.memory_space<vmem_shared>>
        tpu.wait_dma2 semaphore(%run_scoped3A : memref<!tpu.dma_semaphore, #tpu.memory_space<semaphore_mem>>) src(%dma_wait3A_94 : memref<640x16xf32, #tpu.memory_space<vmem_shared>>) dst(%dma_wait3A_91 : memref<640x16xf32, #tpu.memory_space<hbm>>)
        tpu.yield
      }) : () -> ()
    } else {
    }
    return
  }
}

module attributes {stable_mosaic.version = 14 : i64} {
  func.func @_mm_body(%arg0: memref<10000x128xf32, #tpu.memory_space<vmem>>, %arg1: memref<128x32xf32, #tpu.memory_space<vmem>>, %arg2: memref<10016x32xf32, #tpu.memory_space<vmem>>) attributes {dimension_semantics = [], scalar_prefetch = 0 : i64, scratch_operands = 0 : i64, tpu.core_type = #tpu.core_type<tc>} {
    %get3A = arith.constant 0 : index
    %get3A_0 = arith.constant 0 : index
    %get3A_1 = vector.load %arg0[%get3A, %get3A_0] : memref<10000x128xf32, #tpu.memory_space<vmem>>, vector<10000x128xf32>
    %get3A_2 = arith.constant 0 : index
    %get3A_3 = arith.constant 0 : index
    %get3A_4 = vector.load %arg1[%get3A_2, %get3A_3] : memref<128x32xf32, #tpu.memory_space<vmem>>, vector<128x32xf32>
    %dot_general3A = arith.constant dense<0.000000e+00> : vector<10000x32xf32>
    %dot_general3A_5 = tpu.matmul %get3A_1, %get3A_4, %dot_general3A {dimension_numbers = #tpu.dot_dimension_numbers<[1], [0], [0], [1], [0, 0, 1, 1], [], []>, transpose_lhs_hint = false} : vector<10000x128xf32>, vector<128x32xf32>, vector<10000x32xf32> -> vector<10000x32xf32>
    %broadcast_in_dim3A = arith.constant 0.000000e+00 : f32
    %broadcast_in_dim3A_6 = vector.broadcast %broadcast_in_dim3A : f32 to vector<16x32xf32>
    %concatenate3A = tpu.concatenate %dot_general3A_5, %broadcast_in_dim3A_6 in 0 : vector<10000x32xf32>, vector<16x32xf32> -> vector<10016x32xf32>
    %swap3A = arith.constant 0 : index
    %swap3A_7 = arith.constant 0 : index
    %swap3A_8 = vector.load %arg2[%swap3A, %swap3A_7] : memref<10016x32xf32, #tpu.memory_space<vmem>>, vector<10016x32xf32>
    tpu.vector_store %arg2[%swap3A, %swap3A_7], %concatenate3A {strides = array<i32>} : memref<10016x32xf32, #tpu.memory_space<vmem>>, vector<10016x32xf32>,
    return
  }
}

module attributes {stable_mosaic.version = 14 : i64} {
  func.func @_mid_body(%arg0: memref<2x10000x32xf32, #tpu.memory_space<vmem>>, %arg1: memref<2x10000x16xf32, #tpu.memory_space<vmem>>, %arg2: memref<1x32xf32, #tpu.memory_space<vmem>>, %arg3: memref<32x16xf32, #tpu.memory_space<vmem>>, %arg4: memref<10016x16xf32, #tpu.memory_space<vmem>>, %arg5: memref<10000x16xf32, #tpu.memory_space<vmem>>) attributes {dimension_semantics = [], scalar_prefetch = 0 : i64, scratch_operands = 0 : i64, tpu.core_type = #tpu.core_type<tc>} {
    %get3A = arith.constant 0 : index
    %get3A_0 = arith.constant 0 : index
    %get3A_1 = arith.constant 0 : index
    %get3A_2 = vector.load %arg0[%get3A, %get3A_0, %get3A_1] : memref<2x10000x32xf32, #tpu.memory_space<vmem>>, vector<1x10000x32xf32>
    %get3A_3 = vector.shape_cast %get3A_2 : vector<1x10000x32xf32> to vector<10000x32xf32>
    %get3A_4 = arith.constant 1 : index
    %get3A_5 = arith.constant 0 : index
    %get3A_6 = arith.constant 0 : index
    %get3A_7 = vector.load %arg0[%get3A_4, %get3A_5, %get3A_6] : memref<2x10000x32xf32, #tpu.memory_space<vmem>>, vector<1x10000x32xf32>
    %get3A_8 = vector.shape_cast %get3A_7 : vector<1x10000x32xf32> to vector<10000x32xf32>
    %add3A = arith.addf %get3A_3, %get3A_8 : vector<10000x32xf32>
    %get3A_9 = arith.constant 0 : index
    %get3A_10 = arith.constant 0 : index
    %get3A_11 = arith.constant 0 : index
    %get3A_12 = vector.load %arg1[%get3A_9, %get3A_10, %get3A_11] : memref<2x10000x16xf32, #tpu.memory_space<vmem>>, vector<1x10000x16xf32>
    %get3A_13 = vector.shape_cast %get3A_12 : vector<1x10000x16xf32> to vector<10000x16xf32>
    %get3A_14 = arith.constant 1 : index
    %get3A_15 = arith.constant 0 : index
    %get3A_16 = arith.constant 0 : index
    %get3A_17 = vector.load %arg1[%get3A_14, %get3A_15, %get3A_16] : memref<2x10000x16xf32, #tpu.memory_space<vmem>>, vector<1x10000x16xf32>
    %get3A_18 = vector.shape_cast %get3A_17 : vector<1x10000x16xf32> to vector<10000x16xf32>
    %add3A_19 = arith.addf %get3A_13, %get3A_18 : vector<10000x16xf32>
    %max3A = arith.constant 1.000000e+00 : f32
    %max3A_20 = vector.broadcast %max3A : f32 to vector<10000x16xf32>
    %max3A_21 = arith.maximumf %add3A_19, %max3A_20 : vector<10000x16xf32>
    %div3A = arith.constant 1.000000e+00 : f32
    %div3A_22 = vector.broadcast %div3A : f32 to vector<10000x16xf32>
    %div3A_23 = arith.divf %div3A_22, %max3A_21 : vector<10000x16xf32>
    %concatenate3A = tpu.concatenate %div3A_23, %div3A_23 in 1 : vector<10000x16xf32>, vector<10000x16xf32> -> vector<10000x32xf32>
    %mul3A = arith.mulf %add3A, %concatenate3A : vector<10000x32xf32>
    %get3A_24 = arith.constant 0 : index
    %get3A_25 = arith.constant 0 : index
    %get3A_26 = vector.load %arg2[%get3A_24, %get3A_25] : memref<1x32xf32, #tpu.memory_space<vmem>>, vector<1x32xf32>
    %add3A_27 = vector.broadcast %get3A_26 : vector<1x32xf32> to vector<10000x32xf32>
    %add3A_28 = arith.addf %mul3A, %add3A_27 : vector<10000x32xf32>
    %max3A_29 = arith.constant 0.000000e+00 : f32
    %max3A_30 = vector.broadcast %max3A_29 : f32 to vector<10000x32xf32>
    %max3A_31 = arith.maximumf %add3A_28, %max3A_30 : vector<10000x32xf32>
    %get3A_32 = arith.constant 0 : index
    %get3A_33 = arith.constant 0 : index
    %get3A_34 = vector.load %arg3[%get3A_32, %get3A_33] : memref<32x16xf32, #tpu.memory_space<vmem>>, vector<32x16xf32>
    %dot_general3A = arith.constant dense<0.000000e+00> : vector<10000x16xf32>
    %dot_general3A_35 = tpu.matmul %max3A_31, %get3A_34, %dot_general3A {dimension_numbers = #tpu.dot_dimension_numbers<[1], [0], [0], [1], [0, 0, 1, 1], [], []>, transpose_lhs_hint = false} : vector<10000x32xf32>, vector<32x16xf32>, vector<10000x16xf32> -> vector<10000x16xf32>
    %broadcast_in_dim3A = arith.constant 0.000000e+00 : f32
    %broadcast_in_dim3A_36 = vector.broadcast %broadcast_in_dim3A : f32 to vector<16x16xf32>
    %concatenate3A_37 = tpu.concatenate %dot_general3A_35, %broadcast_in_dim3A_36 in 0 : vector<10000x16xf32>, vector<16x16xf32> -> vector<10016x16xf32>
    %swap3A = arith.constant 0 : index
    %swap3A_38 = arith.constant 0 : index
    %swap3A_39 = vector.load %arg4[%swap3A, %swap3A_38] : memref<10016x16xf32, #tpu.memory_space<vmem>>, vector<10016x16xf32>
    tpu.vector_store %arg4[%swap3A, %swap3A_38], %concatenate3A_37 {strides = array<i32>} : memref<10016x16xf32, #tpu.memory_space<vmem>>, vector<10016x16xf32>,
    %swap3A_40 = arith.constant 0 : index
    %swap3A_41 = arith.constant 0 : index
    %swap3A_42 = vector.load %arg5[%swap3A_40, %swap3A_41] : memref<10000x16xf32, #tpu.memory_space<vmem>>, vector<10000x16xf32>
    tpu.vector_store %arg5[%swap3A_40, %swap3A_41], %div3A_23 {strides = array<i32>} : memref<10000x16xf32, #tpu.memory_space<vmem>>, vector<10000x16xf32>,
    return
  }
}

module attributes {stable_mosaic.version = 14 : i64} {
  func.func @_fin_body(%arg0: memref<2x10000x16xf32, #tpu.memory_space<vmem>>, %arg1: memref<10000x16xf32, #tpu.memory_space<vmem>>, %arg2: memref<1x16xf32, #tpu.memory_space<vmem>>, %arg3: memref<10000x12xf32, #tpu.memory_space<vmem>>) attributes {dimension_semantics = [], scalar_prefetch = 0 : i64, scratch_operands = 0 : i64, tpu.core_type = #tpu.core_type<tc>} {
    %get3A = arith.constant 0 : index
    %get3A_0 = arith.constant 0 : index
    %get3A_1 = arith.constant 0 : index
    %get3A_2 = vector.load %arg0[%get3A, %get3A_0, %get3A_1] : memref<2x10000x16xf32, #tpu.memory_space<vmem>>, vector<1x10000x16xf32>
    %get3A_3 = vector.shape_cast %get3A_2 : vector<1x10000x16xf32> to vector<10000x16xf32>
    %get3A_4 = arith.constant 1 : index
    %get3A_5 = arith.constant 0 : index
    %get3A_6 = arith.constant 0 : index
    %get3A_7 = vector.load %arg0[%get3A_4, %get3A_5, %get3A_6] : memref<2x10000x16xf32, #tpu.memory_space<vmem>>, vector<1x10000x16xf32>
    %get3A_8 = vector.shape_cast %get3A_7 : vector<1x10000x16xf32> to vector<10000x16xf32>
    %add3A = arith.addf %get3A_3, %get3A_8 : vector<10000x16xf32>
    %get3A_9 = arith.constant 0 : index
    %get3A_10 = arith.constant 0 : index
    %get3A_11 = vector.load %arg1[%get3A_9, %get3A_10] : memref<10000x16xf32, #tpu.memory_space<vmem>>, vector<10000x16xf32>
    %mul3A = arith.mulf %add3A, %get3A_11 : vector<10000x16xf32>
    %get3A_12 = arith.constant 0 : index
    %get3A_13 = arith.constant 0 : index
    %get3A_14 = vector.load %arg2[%get3A_12, %get3A_13] : memref<1x16xf32, #tpu.memory_space<vmem>>, vector<1x16xf32>
    %add3A_15 = vector.broadcast %get3A_14 : vector<1x16xf32> to vector<10000x16xf32>
    %add3A_16 = arith.addf %mul3A, %add3A_15 : vector<10000x16xf32>
    %max3A = arith.constant 0.000000e+00 : f32
    %max3A_17 = vector.broadcast %max3A : f32 to vector<10000x16xf32>
    %max3A_18 = arith.maximumf %add3A_16, %max3A_17 : vector<10000x16xf32>
    %slice3A = vector.extract_strided_slice %max3A_18 {offsets = [0, 0], sizes = [10000, 12], strides = [1, 1]} : vector<10000x16xf32> to vector<10000x12xf32>
    %swap3A = arith.constant 0 : index
    %swap3A_19 = arith.constant 0 : index
    %swap3A_20 = vector.load %arg3[%swap3A, %swap3A_19] : memref<10000x12xf32, #tpu.memory_space<vmem>>, vector<10000x12xf32>
    tpu.vector_store %arg3[%swap3A, %swap3A_19], %slice3A {strides = array<i32>} : memref<10000x12xf32, #tpu.memory_space<vmem>>, vector<10000x12xf32>,
    return
  }
}

</mosaic_0001>

<sc_bundles>
// kernel: kernel.10.cloned.1.call-start
scs
__scs_entry_jumppad:
0x0: {  	(pc) =	sbr.rel $0x88, $3  }
0x1: {  	(tag) =	ssettag $0x0;
	lr =	simm.s32 $0x1  }
0x2: {  	[smem:$0x3F9B] =	sst lr;
	_ =	strace $0xD0000000  }
0x3: {  	_ = 	snop  }
0x4: {  	_ = 	snop  }
0x5: {  	_ = 	snop  }
0x6: {  	_ = 	snop  }
0x7: {  	_ = 	snop  }
__scs_overlays_trampoline_lowered:
0x8: {  	[smem:$0x3FAA] =	sst s0  }
0x9: {  	[smem:$0x3FAB] =	sst s1  }
0xa: {  	[smem:$0x3FAC] =	sst s2  }
0xb: {  	[smem:$0x3FAD] =	sst s3  }
0xc: {  	[smem:$0x3FAE] =	sst s4  }
0xd: {  	[smem:$0x3FAF] =	sst s5  }
0xe: {  	[smem:$0x3FB0] =	sst s6  }
0xf: {  	[smem:$0x3FB1] =	sst s7  }
0x10: {  	[smem:$0x3FB2] =	sst s8  }
0x11: {  	[smem:$0x3FB3] =	sst s9;
	s0 =	simm.s32 @!p0 $0x0  }
0x12: {  	s1 =	sld [smem:$0x3F99];
	s0 =	simm.s32 @p0 $0x1  }
0x13: {  	[smem:$0x3FB4] =	sst s0;
	s0 =	simm.s32 @!p1 $0x0  }
0x14: {  	s2 =	sld [smem:$0x3F98];
	s0 =	simm.s32 @p1 $0x1  }
0x15: {  	[smem:$0x3FB5] =	sst s0;
	s0 =	simm.s32 @!p2 $0x0  }
0x16: {  	s3 =	sld [smem:$0x3FDB];
	s0 =	simm.s32 @p2 $0x1  }
0x17: {  	s4 =	simm.s32 $0x1BF5;
	[smem:$0x3FB7] =	sst s0  }
0x18: {  	s0 =	sld [smem:$0x3F9A];
	_ =	swait.ge [sflag:s4], $0x0  }
0x19: {  	s7 =	sld [smem:$0x3F9B]  }
0x1a: {  	s8 =	sadd.s32 $0xFFFFE003, lr  }
0x1b: {  	s9 =	sadd.s32 $0xFFFFFEF7, lr;
	s5 =	simm.s32 $0xFFFFFFFF;
	p2 =	slt.u32 s8, $0xFFFFF086  }
0x1c: {  	p1 =	slt.u32 s9, $0xF7A;
	s5 =	simm.s32 @!p2 $0x0  }
0x1d: {  	s5 =	simm.s32 @p1 $0x1;
	p0 =	seq.s32 s7, s2  }
0x1e: {  	s7 =	smul.u32 @!p0 $0xF7A, s2;
	p2 =	seq.s32 @!p0 s5, $0x0  }
0x1f: {  	s9 =	smul.u32 $0xF7A, s1;
	s8 =	simm.s32 @!p0 $0x1BF5;
	p2 =	por !p2, p0  }
0x20: {  	[sflag:s8] =	ssyncset.s32 @!p0 $0xFFFFF086;
	s6 =	sadd.s32 @!p0 s3, s7;
	s7 =	simm.s32 @!p0 $0x108  }
0x21: {  	s3 =	sadd.s32 s3, s9;
	s6 =	sadd.s32 @!p0 $0x88, s6;
	s7 =	simm.s32 @p2 $0x1082  }
0x22: {  	[simem:s7], [sflag:s8] =	dma.local @!p0 [hbm:s6], $0xF7A  }
0x23: {  	s9 =	sor.u32 $0xD0000000, s2;
	s6 =	simm.s32 $0x108;
	_ =	swait.ge @!p0 [sflag:s8], $0x0  }
0x24: {  	s3 =	sadd.s32 $0x88, s3;
	s6 =	simm.s32 @!p1 $0x1082;
	[sflag:s4] =	ssyncset.s32 $0xFFFFF086  }
0x25: {  	[simem:s6], [sflag:s4] =	dma.local [hbm:s3], $0xF7A  }
0x26: {  	[smem:$0x3F9B] =	sst s1;
	(tag) =	ssettag s2;
	_ =	strace s9  }
0x27: {  	s1 =	sld [smem:$0x3FAB]  }
0x28: {  	s2 =	sld [smem:$0x3FAC]  }
0x29: {  	s4 =	sld [smem:$0x3FAE]  }
0x2a: {  	p0 =	seq.s32 s5, $0x0;
	s5 =	sld [smem:$0x3FAF]  }
0x2b: {  	s6 =	sld [smem:$0x3FB0]  }
0x2c: {  	s7 =	sld [smem:$0x3FB1]  }
0x2d: {  	s3 =	simm.s32 $0x108;
	s8 =	sld [smem:$0x3FB2]  }
0x2e: {  	s3 =	simm.s32 @!p0 $0x1082;
	s9 =	sld [smem:$0x3FB3]  }
0x2f: {  	lr =	sadd.s32 s0, s3;
	s0 =	sld [smem:$0x3FAA]  }
0x30: {  	s3 =	sld [smem:$0x3FAD]  }
0x31: {  	[smem:$0x3FB6] =	sst s10  }
0x32: {  	s10 =	sld [smem:$0x3FB4];
	_ =	sdelay $0x3  }
0x33: {  	p0 =	seq.s32 s10, $0x1;
	s10 =	sld [smem:$0x3FB6];
	_ =	sdelay $0x3  }
0x34: {  	[smem:$0x3FB6] =	sst s10  }
0x35: {  	s10 =	sld [smem:$0x3FB5];
	_ =	sdelay $0x3  }
0x36: {  	p1 =	seq.s32 s10, $0x1;
	s10 =	sld [smem:$0x3FB6];
	_ =	sdelay $0x3  }
0x37: {  	[smem:$0x3FB6] =	sst s10  }
0x38: {  	s10 =	sld [smem:$0x3FB7]  }
0x39: {  	_ = 	snop;
	(pc) =	sbr.ind lr, $3  }
0x3a: {  	_ = 	snop  }
0x3b: {  	_ = 	snop  }
0x3c: {  	p2 =	seq.s32 s10, $0x1;
	s10 =	sld [smem:$0x3FB6]  }
0x3d: {  	_ =	shalt  }
0x3e: {  	_ =	shalt  }
0x3f: {  	_ =	shalt  }
0x40: {  	_ =	shalt  }
0x41: {  	_ =	shalt  }
0x42: {  	_ =	shalt  }
0x43: {  	_ =	shalt  }
0x44: {  	_ =	shalt  }
0x45: {  	_ =	shalt  }
0x46: {  	_ =	shalt  }
0x47: {  	_ =	shalt  }
0x48: {  	_ =	shalt  }
0x49: {  	_ =	shalt  }
0x4a: {  	_ =	shalt  }
0x4b: {  	_ =	shalt  }
0x4c: {  	_ =	shalt  }
0x4d: {  	_ =	shalt  }
0x4e: {  	_ =	shalt  }
0x4f: {  	_ =	shalt  }
0x50: {  	_ =	shalt  }
0x51: {  	_ =	shalt  }
0x52: {  	_ =	shalt  }
0x53: {  	_ =	shalt  }
0x54: {  	_ =	shalt  }
0x55: {  	_ =	shalt  }
0x56: {  	_ =	shalt  }
0x57: {  	_ =	shalt  }
0x58: {  	_ =	shalt  }
0x59: {  	_ =	shalt  }
0x5a: {  	_ =	shalt  }
0x5b: {  	_ =	shalt  }
0x5c: {  	_ =	shalt  }
0x5d: {  	_ =	shalt  }
0x5e: {  	_ =	shalt  }
0x5f: {  	_ =	shalt  }
0x60: {  	_ =	shalt  }
0x61: {  	_ =	shalt  }
0x62: {  	_ =	shalt  }
0x63: {  	_ =	shalt  }
0x64: {  	_ =	shalt  }
0x65: {  	_ =	shalt  }
0x66: {  	_ =	shalt  }
0x67: {  	_ =	shalt  }
0x68: {  	_ =	shalt  }
0x69: {  	_ =	shalt  }
0x6a: {  	_ =	shalt  }
0x6b: {  	_ =	shalt  }
0x6c: {  	_ =	shalt  }
0x6d: {  	_ =	shalt  }
0x6e: {  	_ =	shalt  }
0x6f: {  	_ =	shalt  }
0x70: {  	_ =	shalt  }
0x71: {  	_ =	shalt  }
0x72: {  	_ =	shalt  }
0x73: {  	_ =	shalt  }
0x74: {  	_ =	shalt  }
0x75: {  	_ =	shalt  }
0x76: {  	_ =	shalt  }
0x77: {  	_ =	shalt  }
0x78: {  	_ =	shalt  }
0x79: {  	_ =	shalt  }
0x7a: {  	_ =	shalt  }
0x7b: {  	_ =	shalt  }
0x7c: {  	_ =	shalt  }
0x7d: {  	_ =	shalt  }
0x7e: {  	_ =	shalt  }
0x7f: {  	_ =	shalt  }
0x80: {  	_ =	shalt  }
0x81: {  	_ =	shalt  }
0x82: {  	_ =	shalt  }
0x83: {  	_ =	shalt  }
0x84: {  	_ =	shalt  }
0x85: {  	_ =	shalt  }
0x86: {  	_ =	shalt  }
0x87: {  	_ =	shalt  }
.Lfunc_end0:
.L_simem_size_0:
called_computation.1_lowered:
.L_overlay_start_0:
0x88: {  	s2 =	sld [smem:$0x3FD9]  }
0x89: {  	s3 =	sld [smem:$0x3FFE];
	_ =	sdelay $0x1  }
0x8a: {  	s1 =	srdreg.scid  }
0x8b: {  	s0 =	sand.u32 $0x1, s1  }
0x8c: {  	s17 =	sshll.u32 s0, $0xA;
	s2 =	sadd.s32 s3, s2  }
0x8d: {  	s2 =	sadd.s32 s2, s17  }
0x8e: {  	[smem:$0x3FC2] =	sst s2  }
0x8f: {  	_ = 	snop  }
0x90: {  	s2 =	sld [smem:$0x3FD0];
	(tm) =	ssettm $0x1  }
0x91: {  	s18 =	sld [smem:$0x3FFB];
	_ =	sdelay $0x3  }
0x92: {  	_ =	strace s18  }
0x93: {  	s3 =	sld [smem:$0x3FFC];
	_ =	sdelay $0x3  }
0x94: {  	_ =	strace s3  }
0x95: {  	s3 =	sld [smem:$0x3FFD];
	_ =	sdelay $0x3  }
0x96: {  	_ =	strace s3  }
0x97: {  	_ =	strace $0x8FFFFFFF  }
0x98: {  	s19 =	sld [smem:$0x3FDB];
	_ =	sdelay $0x1  }
0x99: {  	s4 =	simm.s32 $_scs_section_size  }
0x9a: {  	s5 =	simm.s32 $_size__tile_overlayer_lowered;
	s6 =	simm.s32 $_tile_overlayer_lowered  }
0x9b: {  	s22 =	simm.s32 $0x1BFF;
	s21 =	sshll.u32 s6, $0x1;
	s3 =	sadd.s32 s4, s19  }
0x9c: {  	s7 =	simm.s32 $0x0;
	s20 =	sshll.u32 s5, $0x1;
	s5 =	sadd.s32 s21, s3  }
0x9d: {  	[timem:s7], [sflag:s22] =	dma.local [hbm:s5], s20  }
0x9e: {  	_ =	swait.ge [sflag:s22], s20  }
0x9f: {  	s4 =	ssub.s32 $0x0, s20;
	[sflag:s22] =	ssyncset.done $0x0  }
0xa0: {  	[sflag:s22] =	ssyncadd.s32 s4;
	_ =	sdelay $0x1  }
0xa1: {  	s23 =	simm.s32 $0x1B8B  }
0xa2: {  	_ =	swait.ge [sflag:s23], $0x1  }
0xa3: {  	[sflag:s23] =	ssyncset.done $0x0  }
0xa4: {  	s25 =	simm.s32 $0x1B8E;
	s24 =	sld [smem:$0x3FFE];
	[sflag:s23] =	ssyncadd.s32 $0xFFFFFFFF  }
0xa5: {  	s26 =	simm.s32 $execute0_lowered;
	[smem:$0x3FD2] =	sst s25  }
0xa6: {  	s5 =	sshll.u32 s26, $0x1;
	_ =	strace $0x80000049;
	[dreg:$0x1] =	wrdreg $0xFFFFFFFF  }
0xa7: {  	s28 =	simm.s32 $_size_execute0_lowered;
	s3 =	sadd.s32 s3, s5;
	[dreg:$0x0] =	wrdreg $0x0  }
0xa8: {  	s5 =	sshll.u32 s28, $0x1;
	[dreg:$0x2] =	wrdreg s3  }
0xa9: {  	[dreg:$0x3] =	wrdreg s5  }
0xaa: {  	[dreg:$0x4] =	wrdreg $0xC0  }
0xab: {  	_ =	task [dreg:s7], $0x5FFFF  }
0xac: {  	[dreg:$0x1] =	wrdreg $0xFFFFFFFF  }
0xad: {  	[dreg:$0x0] =	wrdreg $0x60  }
0xae: {  	[dreg:$0x2] =	wrdreg s2  }
0xaf: {  	[dreg:$0x3] =	wrdreg s24  }
0xb0: {  	[dreg:$0x4] =	wrdreg $0x87800  }
0xb1: {  	[dreg:$0x5] =	wrdreg $0x9  }
0xb2: {  	_ =	task.clear_ibuf [dreg:s7], $0x6FFFF;
	_ =	strace $0x90000049  }
0xb3: {  	s29 =	simm.s32 $0x9;
	_ =	strace $0x8000004B  }
0xb4: {  	_ =	swait.ge [sflag:s29], $0x1  }
0xb5: {  	[sflag:s29] =	ssyncadd.s32 $0xFFFFFFFF  }
0xb6: {  	_ =	strace $0x9000004B  }
0xb7: {  	_ =	sfence  }
0xb8: {  	s30 =	sld [smem:$0x0];
	_ =	sdelay $0x2  }
0xb9: {  	s31 =	sshll.u32 s1, $0xD;
	s1 =	sshrl.u32 s1, $0x2  }
0xba: {  	s3 =	sand.u32 $0x4000, s31;
	s1 =	sadd.s32 s1, s30  }
0xbb: {  	s0 =	sor.u32 s3, s0;
	s1 =	sshll.u32 s1, $0x11  }
0xbc: {  	s0 =	sor.u32 s1, s0  }
0xbd: {  	s0 =	sadd.s32 $0x8F2B, s0  }
0xbe: {  	[sflag:s0] =	ssyncadd.remote.s32 $0x1  }
0xbf: {  	_ =	sfence.sel $0xFFFF  }
0xc0: {  	[dreg:$0x0] =	wrdreg $0xFFFFFFFF;
	(pc) =	sbr.abs _section_cstart, $3  }
0xc1: {  	[dreg:$0x1] =	wrdreg $0xFFFFFFFF  }
0xc2: {  	_ =	task.clear_ibuf [dreg:s7], $0x2FFFF;
	_ =	strace $0x9FFFFFFF  }
0xc3: {  	(tm) =	ssettm $0x7FFFFFFF  }
tec
execute0_lowered:
.L_overlay_start_1:
0x0: {  	(tag) =	ssettag $0x1  }
0x1: {  	s0 =	rddreg [dreg:$0x0]  }
0x2: {  	s1 =	srdreg.scid;
	s5 =	rddreg [dreg:$0x1]  }
0x3: {  	s3 =	rddreg [dreg:$0x2];
	s2 =	stileid.u32  }
0x4: {  	s4 =	simm.s32 $0x0;
	s14 =	simm.s32 $0x80;
	s15 =	simm.s32 $0x5000  }
0x5: {  	s16 =	simm.s32 $0x5800;
	s17 =	simm.s32 $0x1;
	s18 =	simm.s32 $0x2  }
0x6: {  	s19 =	simm.s32 $0x3;
	s20 =	simm.s32 $0x4;
	s21 =	simm.s32 $0x4F00  }
0x7: {  	s22 =	simm.s32 $0x4F80;
	s6 =	sand.u32 $0x1, s1;
	s1 =	rddreg [dreg:$0x3]  }
0x8: {  	s25 =	simm.s32 $0x0;
	[smem:$0x7FF] =	sst s4;
	s8 =	smul.u32 $0x9E00, s2  }
0x9: {  	s11 =	sadd.s32 $0x15000, s5;
	s12 =	smul.u32 $0x2700, s2;
	s23 =	sadd.s32 $0x24900, s3  }
0xa: {  	p0 =	seq.s32 s2, $0xF;
	s7 =	sshll.u32 s6, $0x4;
	_ =	strace $0x8000004A  }
0xb: {  	s9 =	ssub.s32 $0x2, s6;
	s10 =	smul.u32 $0x27100, s6;
	s23 =	sshrl.u32 @p0 s23, $0x3  }
0xc: {  	s7 =	sor.u32 s2, s7;
	s28 =	sshrl.u32 s9, $0x1;
	s29 =	sshrl.u32 s8, $0x2  }
0xd: {  	s24 =	sadd.s32 s12, s3;
	s7 =	smul.u32 $0x500, s7;
	s13 =	ssub.s32 s9, s28  }
0xe: {  	s30 =	sadd.s32 s12, s10;
	s31 =	sshrl.u32 s10, $0x3;
	s12 =	simm.s32 $0x2800  }
0xf: {  	s24 =	sshrl.u32 @!p0 s24, $0x3;
	s8 =	sshrl.u32 s30, $0x3;
	s9 =	sadd.s32 s11, s31  }
0x10: {  	s10 =	smax.u32 s13, $0x1;
	s13 =	simm.s32 $0x6000;
	s7 =	sadd.s32 s7, s5  }
0x11: {  	s8 =	sadd.s32 s11, s8;
	s9 =	sadd.s32 $0x4920, s9;
	s11 =	simm.s32 $0x5  }
0x12: {  	v0 =	vimm.f32 $0.0e+00;
	s5 =	sadd.s32 $0xB000, s7;
	s6 =	sadd.s32 $0x1000, s7;
	s7 =	sadd.s32 s29, s3  }
.LBB2_1:
0x13: {  	[tilespmem:s4], [sflag:$0x5] =	stream.linear.gather [hbm4b:s5+s4], $0x2800, $0x38;
	[tilespmem:$0xAF00] =	vst v63  }
0x14: {  	_ =	swait.ge [sflag:s11], $0x2800  }
0x15: {  	[sflag:s11] =	ssyncset.done $0x0  }
0x16: {  	[sflag:s11] =	ssyncadd.s32 $0xFFFFD800  }
0x17: {  	[tilespmem:s12], [sflag:$0x5] =	stream.linear.gather [hbm4b:s6+s4], $0x2800, $0x38;
	[tilespmem:$0xAF00] =	vst v63  }
0x18: {  	_ =	swait.ge [sflag:s11], $0x2800  }
0x19: {  	[sflag:s11] =	ssyncset.done $0x0  }
0x1a: {  	s26 =	simm.s32 $0x40;
	s28 =	simm.s32 $0x0;
	[sflag:s11] =	ssyncadd.s32 $0xFFFFD800  }
.LBB2_2:
0x1b: {  	p1 =	sne.s32 s26, $0x9DC0;
	[tilespmem:s28+$0x6000] =	vst v0;
	s28 =	smov.u32 s26;
	s26 =	sadd.s32 $0x40, s26  }
.Ltmp0:
0x1c: {  	(pc) =	sbr.rel @p1 .LBB2_2-.Ltmp0, $2  }
0x1d: {  	_ =	sdelay $0x2  }
0x1e: {  	s28 =	sshra.s32 s28, $0x2  }
0x1f: {  	[tilespmem:s28+$0x6000] =	vst v0  }
0x20: {  	[spmem:s7] =	stream.linear.scatter [tilespmem:s13], [sflag:$0x5], $0x2780, $0x38;
	[tilespmem:$0xAF00] =	vst v63  }
0x21: {  	_ =	swait.ge [sflag:s11], $0x2780  }
0x22: {  	[sflag:s11] =	ssyncset.done $0x0  }
0x23: {  	[sflag:s11] =	ssyncadd.s32 $0xFFFFD880  }
0x24: {  	s26 =	simm.s32 $0x0;
	[bflag:$0x0] =	sbarrier.arrive $0xFFFF  }
0x25: {  	[tilespmem:s15], [sflag:$0x1] =	stream.indirect.gather [hbm4b:s0+s14], $0x10, s26, s14, $0xb8;
	[tilespmem:$0xAF00] =	vst v63  }
0x26: {  	_ = 	snop  }
0x27: {  	[tilespmem:s16], [sflag:$0x2] =	stream.indirect.gather [hbm4b:s0+s14], $0x10, s14, s14, $0xb8;
	[tilespmem:$0xAF00] =	vst v63  }
0x28: {  	_ =	swait.ge [sflag:s17], $0x800  }
0x29: {  	[sflag:s17] =	ssyncset.done $0x0  }
0x2a: {  	s29 =	simm.s32 $0x2800;
	[sflag:s17] =	ssyncadd.s32 $0xFFFFF800  }
0x2b: {  	[spmem:s3] =	stream.indirect.scatter.add.f32 [tilespmem:s15], [sflag:$0x3], $0x10, s29, s14, $0xb8;
	[tilespmem:$0xAF00] =	vst v63  }
0x2c: {  	_ =	swait.ge [sflag:s18], $0x800  }
0x2d: {  	[sflag:s18] =	ssyncset.done $0x0  }
0x2e: {  	s30 =	simm.s32 $0x2880;
	[sflag:s18] =	ssyncadd.s32 $0xFFFFF800  }
0x2f: {  	[spmem:s3] =	stream.indirect.scatter.add.f32 [tilespmem:s16], [sflag:$0x4], $0x10, s30, s14, $0xb8;
	[tilespmem:$0xAF00] =	vst v63  }
0x30: {  	_ =	swait.ge [sflag:s19], $0x800  }
0x31: {  	[sflag:s19] =	ssyncset.done $0x0  }
0x32: {  	s31 =	simm.s32 $0x100;
	[sflag:s19] =	ssyncadd.s32 $0xFFFFF800  }
0x33: {  	[tilespmem:s15], [sflag:$0x1] =	stream.indirect.gather [hbm4b:s0+s14], $0x10, s31, s14, $0xb8;
	[tilespmem:$0xAF00] =	vst v63  }
0x34: {  	_ =	swait.ge [sflag:s20], $0x800  }
0x35: {  	[sflag:s20] =	ssyncset.done $0x0  }
0x36: {  	s28 =	simm.s32 $0x180;
	s26 =	simm.s32 $0x400;
	[sflag:s20] =	ssyncadd.s32 $0xFFFFF800  }
.LBB2_4:
0x37: {  	[tilespmem:s16], [sflag:$0x2] =	stream.indirect.gather [hbm4b:s0+s14], $0x10, s28, s14, $0xb8;
	[tilespmem:$0xAF00] =	vst v63  }
0x38: {  	s28 =	smov.u32 s26  }
0x39: {  	p1 =	sne.s32 s26, $0x9800;
	s26 =	sadd.s32 $0x400, s26;
	_ =	swait.ge [sflag:s17], $0x800  }
0x3a: {  	s28 =	sshra.s32 s28, $0x2;
	[sflag:s17] =	ssyncset.done $0x0  }
0x3b: {  	s29 =	sadd.s32 $0x2800, s28;
	[sflag:s17] =	ssyncadd.s32 $0xFFFFF800  }
0x3c: {  	[spmem:s3] =	stream.indirect.scatter.add.f32 [tilespmem:s15], [sflag:$0x3], $0x10, s29, s14, $0xb8;
	[tilespmem:$0xAF00] =	vst v63  }
0x3d: {  	_ =	swait.ge [sflag:s18], $0x800  }
0x3e: {  	[sflag:s18] =	ssyncset.done $0x0  }
0x3f: {  	s29 =	sadd.s32 $0x2880, s28;
	[sflag:s18] =	ssyncadd.s32 $0xFFFFF800  }
0x40: {  	[spmem:s3] =	stream.indirect.scatter.add.f32 [tilespmem:s16], [sflag:$0x4], $0x10, s29, s14, $0xb8;
	[tilespmem:$0xAF00] =	vst v63  }
0x41: {  	_ =	swait.ge [sflag:s19], $0x800  }
0x42: {  	[sflag:s19] =	ssyncset.done $0x0  }
.Ltmp1:
0x43: {  	s29 =	sadd.s32 $0x100, s28;
	[sflag:s19] =	ssyncadd.s32 $0xFFFFF800;
	(pc) =	sbr.rel @p1 .LBB2_4-.Ltmp1, $4  }
0x44: {  	[tilespmem:s15], [sflag:$0x1] =	stream.indirect.gather [hbm4b:s0+s14], $0x10, s29, s14, $0xb8;
	[tilespmem:$0xAF00] =	vst v63  }
0x45: {  	_ =	swait.ge [sflag:s20], $0x800  }
0x46: {  	[sflag:s20] =	ssyncset.done $0x0  }
0x47: {  	s28 =	sadd.s32 $0x180, s28;
	[sflag:s20] =	ssyncadd.s32 $0xFFFFF800  }
0x48: {  	[tilespmem:s16], [sflag:$0x2] =	stream.indirect.gather [hbm4b:s0+s14], $0x10, s28, s14, $0xb8;
	[tilespmem:$0xAF00] =	vst v63  }
0x49: {  	_ =	swait.ge [sflag:s17], $0x800  }
0x4a: {  	[sflag:s17] =	ssyncset.done $0x0  }
0x4b: {  	[sflag:s17] =	ssyncadd.s32 $0xFFFFF800  }
0x4c: {  	[spmem:s3] =	stream.indirect.scatter.add.f32 [tilespmem:s15], [sflag:$0x3], $0x10, s21, s14, $0xb8;
	[tilespmem:$0xAF00] =	vst v63  }
0x4d: {  	_ =	swait.ge [sflag:s18], $0x800  }
0x4e: {  	[sflag:s18] =	ssyncset.done $0x0  }
0x4f: {  	[sflag:s18] =	ssyncadd.s32 $0xFFFFF800  }
0x50: {  	[spmem:s3] =	stream.indirect.scatter.add.f32 [tilespmem:s16], [sflag:$0x4], $0x10, s22, s14, $0xb8;
	[tilespmem:$0xAF00] =	vst v63  }
0x51: {  	_ =	swait.ge [sflag:s19], $0x800  }
0x52: {  	[sflag:s19] =	ssyncset.done $0x0  }
0x53: {  	[sflag:s19] =	ssyncadd.s32 $0xFFFFF800  }
0x54: {  	_ =	swait.ge [sflag:s20], $0x800  }
0x55: {  	[sflag:s20] =	ssyncset.done $0x0  }
0x56: {  	[sflag:s20] =	ssyncadd.s32 $0xFFFFF800  }
0x57: {  	s26 =	simm.s32 @p0 $0x1FC5;
	[bflag:$0x0] =	sbarrier.arrive $0xFFFF  }
0x58: {  	[hbm:s9], [sflag:s26] =	dma.local @p0 [spmem:s23], $0x500  }
0x59: {  	s26 =	simm.s32 @p0 $0x5  }
0x5a: {  	_ =	swait.ge @p0 [sflag:s26], $0x500  }
0x5b: {  	s28 =	sshll.u32 @!p0 s2, $0x6;
	s25 =	sadd.s32 $0x1, s25;
	[sflag:s26] =	ssyncset.done @p0 $0x0  }
0x5c: {  	p1 =	sne.s32 s25, s10;
	[sflag:s26] =	ssyncadd.s32 @p0 $0xFFFFFB00;
	s26 =	sor.u32 @!p0 $0x1C05, s28  }
0x5d: {  	[hbm:s8], [sflag:s26] =	dma.local @!p0 [spmem:s24], $0x4E0  }
.Ltmp2:
0x5e: {  	_ = 	snop;
	(pc) =	sbr.rel @p1 .LBB2_1-.Ltmp2, $4  }
0x5f: {  	s26 =	simm.s32 @!p0 $0x5  }
0x60: {  	_ =	swait.ge @!p0 [sflag:s26], $0x4E0  }
0x61: {  	[sflag:s26] =	ssyncset.done @!p0 $0x0  }
0x62: {  	[sflag:s26] =	ssyncadd.s32 @!p0 $0xFFFFFB20  }
0x63: {  	_ =	sfence.sel $0x180000  }
0x64: {  	[bflag:$0x0] =	sbarrier.arrive $0xFFFF  }
0x65: {  	p0 =	sne.s32 s2, $0x0;
	_ =	strace $0x9000004A  }
0x66: {  	s0 =	sadd.s32 @!p0 $0x100000, s1;
	[bflag:$0x2] =	sbarrier.arrive $0xFFFF  }
0x67: {  	[sflag:s0] =	ssyncadd.tile.s32 @!p0 $0x1;
	_ =	shalt  }
.Lfunc_end2:
_tile_overlayer_lowered:
.L_overlay_start_2:
0x68: {  	(tag) =	ssettag $0x2  }
0x69: {  	s0 =	rddreg [dreg:$0x0];
	s2 =	stileid.u32  }
0x6a: {  	s1 =	rddreg [dreg:$0x1];
	p0 =	sne.s32 s2, $0x0  }
0x6b: {  	s3 =	rddreg [dreg:$0x2];
	[bflag:$0x3] =	sbarrier.arrive $0xFFFF;
	s2 =	simm.s32 @!p0 $0x1C05  }
0x6c: {  	[timem:s3], [sflag:s2] =	dma.local @!p0 [hbm:s0], s1  }
0x6d: {  	s0 =	simm.s32 @!p0 $0x5  }
0x6e: {  	_ =	swait.ge @!p0 [sflag:s0], s1  }
0x6f: {  	s1 =	ssub.s32 @!p0 $0x0, s1;
	[sflag:s0] =	ssyncset.done @!p0 $0x0  }
0x70: {  	[sflag:s0] =	ssyncadd.s32 @!p0 s1  }
0x71: {  	[bflag:$0x3] =	sbarrier.arrive $0xFFFF  }
0x72: {  	_ =	shalt  }

// kernel: kernel.7.cloned.1.call-start
scs
__scs_entry_jumppad:
0x0: {  	(pc) =	sbr.rel $0x88, $3  }
0x1: {  	(tag) =	ssettag $0x0;
	lr =	simm.s32 $0x1  }
0x2: {  	[smem:$0x3F9B] =	sst lr;
	_ =	strace $0xD0000000  }
0x3: {  	_ = 	snop  }
0x4: {  	_ = 	snop  }
0x5: {  	_ = 	snop  }
0x6: {  	_ = 	snop  }
0x7: {  	_ = 	snop  }
__scs_overlays_trampoline_lowered:
0x8: {  	[smem:$0x3FAA] =	sst s0  }
0x9: {  	[smem:$0x3FAB] =	sst s1  }
0xa: {  	[smem:$0x3FAC] =	sst s2  }
0xb: {  	[smem:$0x3FAD] =	sst s3  }
0xc: {  	[smem:$0x3FAE] =	sst s4  }
0xd: {  	[smem:$0x3FAF] =	sst s5  }
0xe: {  	[smem:$0x3FB0] =	sst s6  }
0xf: {  	[smem:$0x3FB1] =	sst s7  }
0x10: {  	[smem:$0x3FB2] =	sst s8  }
0x11: {  	[smem:$0x3FB3] =	sst s9;
	s0 =	simm.s32 @!p0 $0x0  }
0x12: {  	s1 =	sld [smem:$0x3F99];
	s0 =	simm.s32 @p0 $0x1  }
0x13: {  	[smem:$0x3FB4] =	sst s0;
	s0 =	simm.s32 @!p1 $0x0  }
0x14: {  	s2 =	sld [smem:$0x3F98];
	s0 =	simm.s32 @p1 $0x1  }
0x15: {  	[smem:$0x3FB5] =	sst s0;
	s0 =	simm.s32 @!p2 $0x0  }
0x16: {  	s3 =	sld [smem:$0x3FDB];
	s0 =	simm.s32 @p2 $0x1  }
0x17: {  	s4 =	simm.s32 $0x1BF5;
	[smem:$0x3FB7] =	sst s0  }
0x18: {  	s0 =	sld [smem:$0x3F9A];
	_ =	swait.ge [sflag:s4], $0x0  }
0x19: {  	s7 =	sld [smem:$0x3F9B]  }
0x1a: {  	s8 =	sadd.s32 $0xFFFFE003, lr  }
0x1b: {  	s9 =	sadd.s32 $0xFFFFFEF7, lr;
	s5 =	simm.s32 $0xFFFFFFFF;
	p2 =	slt.u32 s8, $0xFFFFF086  }
0x1c: {  	p1 =	slt.u32 s9, $0xF7A;
	s5 =	simm.s32 @!p2 $0x0  }
0x1d: {  	s5 =	simm.s32 @p1 $0x1;
	p0 =	seq.s32 s7, s2  }
0x1e: {  	s7 =	smul.u32 @!p0 $0xF7A, s2;
	p2 =	seq.s32 @!p0 s5, $0x0  }
0x1f: {  	s9 =	smul.u32 $0xF7A, s1;
	s8 =	simm.s32 @!p0 $0x1BF5;
	p2 =	por !p2, p0  }
0x20: {  	[sflag:s8] =	ssyncset.s32 @!p0 $0xFFFFF086;
	s6 =	sadd.s32 @!p0 s3, s7;
	s7 =	simm.s32 @!p0 $0x108  }
0x21: {  	s3 =	sadd.s32 s3, s9;
	s6 =	sadd.s32 @!p0 $0x88, s6;
	s7 =	simm.s32 @p2 $0x1082  }
0x22: {  	[simem:s7], [sflag:s8] =	dma.local @!p0 [hbm:s6], $0xF7A  }
0x23: {  	s9 =	sor.u32 $0xD0000000, s2;
	s6 =	simm.s32 $0x108;
	_ =	swait.ge @!p0 [sflag:s8], $0x0  }
0x24: {  	s3 =	sadd.s32 $0x88, s3;
	s6 =	simm.s32 @!p1 $0x1082;
	[sflag:s4] =	ssyncset.s32 $0xFFFFF086  }
0x25: {  	[simem:s6], [sflag:s4] =	dma.local [hbm:s3], $0xF7A  }
0x26: {  	[smem:$0x3F9B] =	sst s1;
	(tag) =	ssettag s2;
	_ =	strace s9  }
0x27: {  	s1 =	sld [smem:$0x3FAB]  }
0x28: {  	s2 =	sld [smem:$0x3FAC]  }
0x29: {  	s4 =	sld [smem:$0x3FAE]  }
0x2a: {  	p0 =	seq.s32 s5, $0x0;
	s5 =	sld [smem:$0x3FAF]  }
0x2b: {  	s6 =	sld [smem:$0x3FB0]  }
0x2c: {  	s7 =	sld [smem:$0x3FB1]  }
0x2d: {  	s3 =	simm.s32 $0x108;
	s8 =	sld [smem:$0x3FB2]  }
0x2e: {  	s3 =	simm.s32 @!p0 $0x1082;
	s9 =	sld [smem:$0x3FB3]  }
0x2f: {  	lr =	sadd.s32 s0, s3;
	s0 =	sld [smem:$0x3FAA]  }
0x30: {  	s3 =	sld [smem:$0x3FAD]  }
0x31: {  	[smem:$0x3FB6] =	sst s10  }
0x32: {  	s10 =	sld [smem:$0x3FB4];
	_ =	sdelay $0x3  }
0x33: {  	p0 =	seq.s32 s10, $0x1;
	s10 =	sld [smem:$0x3FB6];
	_ =	sdelay $0x3  }
0x34: {  	[smem:$0x3FB6] =	sst s10  }
0x35: {  	s10 =	sld [smem:$0x3FB5];
	_ =	sdelay $0x3  }
0x36: {  	p1 =	seq.s32 s10, $0x1;
	s10 =	sld [smem:$0x3FB6];
	_ =	sdelay $0x3  }
0x37: {  	[smem:$0x3FB6] =	sst s10  }
0x38: {  	s10 =	sld [smem:$0x3FB7]  }
0x39: {  	_ = 	snop;
	(pc) =	sbr.ind lr, $3  }
0x3a: {  	_ = 	snop  }
0x3b: {  	_ = 	snop  }
0x3c: {  	p2 =	seq.s32 s10, $0x1;
	s10 =	sld [smem:$0x3FB6]  }
0x3d: {  	_ =	shalt  }
0x3e: {  	_ =	shalt  }
0x3f: {  	_ =	shalt  }
0x40: {  	_ =	shalt  }
0x41: {  	_ =	shalt  }
0x42: {  	_ =	shalt  }
0x43: {  	_ =	shalt  }
0x44: {  	_ =	shalt  }
0x45: {  	_ =	shalt  }
0x46: {  	_ =	shalt  }
0x47: {  	_ =	shalt  }
0x48: {  	_ =	shalt  }
0x49: {  	_ =	shalt  }
0x4a: {  	_ =	shalt  }
0x4b: {  	_ =	shalt  }
0x4c: {  	_ =	shalt  }
0x4d: {  	_ =	shalt  }
0x4e: {  	_ =	shalt  }
0x4f: {  	_ =	shalt  }
0x50: {  	_ =	shalt  }
0x51: {  	_ =	shalt  }
0x52: {  	_ =	shalt  }
0x53: {  	_ =	shalt  }
0x54: {  	_ =	shalt  }
0x55: {  	_ =	shalt  }
0x56: {  	_ =	shalt  }
0x57: {  	_ =	shalt  }
0x58: {  	_ =	shalt  }
0x59: {  	_ =	shalt  }
0x5a: {  	_ =	shalt  }
0x5b: {  	_ =	shalt  }
0x5c: {  	_ =	shalt  }
0x5d: {  	_ =	shalt  }
0x5e: {  	_ =	shalt  }
0x5f: {  	_ =	shalt  }
0x60: {  	_ =	shalt  }
0x61: {  	_ =	shalt  }
0x62: {  	_ =	shalt  }
0x63: {  	_ =	shalt  }
0x64: {  	_ =	shalt  }
0x65: {  	_ =	shalt  }
0x66: {  	_ =	shalt  }
0x67: {  	_ =	shalt  }
0x68: {  	_ =	shalt  }
0x69: {  	_ =	shalt  }
0x6a: {  	_ =	shalt  }
0x6b: {  	_ =	shalt  }
0x6c: {  	_ =	shalt  }
0x6d: {  	_ =	shalt  }
0x6e: {  	_ =	shalt  }
0x6f: {  	_ =	shalt  }
0x70: {  	_ =	shalt  }
0x71: {  	_ =	shalt  }
0x72: {  	_ =	shalt  }
0x73: {  	_ =	shalt  }
0x74: {  	_ =	shalt  }
0x75: {  	_ =	shalt  }
0x76: {  	_ =	shalt  }
0x77: {  	_ =	shalt  }
0x78: {  	_ =	shalt  }
0x79: {  	_ =	shalt  }
0x7a: {  	_ =	shalt  }
0x7b: {  	_ =	shalt  }
0x7c: {  	_ =	shalt  }
0x7d: {  	_ =	shalt  }
0x7e: {  	_ =	shalt  }
0x7f: {  	_ =	shalt  }
0x80: {  	_ =	shalt  }
0x81: {  	_ =	shalt  }
0x82: {  	_ =	shalt  }
0x83: {  	_ =	shalt  }
0x84: {  	_ =	shalt  }
0x85: {  	_ =	shalt  }
0x86: {  	_ =	shalt  }
0x87: {  	_ =	shalt  }
.Lfunc_end0:
.L_simem_size_0:
called_computation_lowered:
.L_overlay_start_0:
0x88: {  	s2 =	sld [smem:$0x3FD9]  }
0x89: {  	s3 =	sld [smem:$0x3FFE];
	_ =	sdelay $0x1  }
0x8a: {  	s1 =	srdreg.scid  }
0x8b: {  	s0 =	sand.u32 $0x1, s1  }
0x8c: {  	s16 =	sshll.u32 s0, $0xA;
	s2 =	sadd.s32 s3, s2  }
0x8d: {  	s2 =	sadd.s32 s2, s16  }
0x8e: {  	[smem:$0x3FC2] =	sst s2  }
0x8f: {  	_ = 	snop  }
0x90: {  	(tm) =	ssettm $0x1  }
0x91: {  	s17 =	sld [smem:$0x3FFB];
	_ =	sdelay $0x3  }
0x92: {  	_ =	strace s17  }
0x93: {  	s2 =	sld [smem:$0x3FFC];
	_ =	sdelay $0x3  }
0x94: {  	_ =	strace s2  }
0x95: {  	s2 =	sld [smem:$0x3FFD];
	_ =	sdelay $0x3  }
0x96: {  	_ =	strace s2  }
0x97: {  	_ =	strace $0x8FFFFFFF  }
0x98: {  	s18 =	sld [smem:$0x3FDB];
	_ =	sdelay $0x1  }
0x99: {  	s19 =	simm.s32 $_scs_section_size  }
0x9a: {  	s4 =	simm.s32 $_size__tile_overlayer_lowered;
	s5 =	simm.s32 $_tile_overlayer_lowered  }
0x9b: {  	s22 =	simm.s32 $0x1BFF;
	s21 =	sshll.u32 s5, $0x1;
	s2 =	sadd.s32 s19, s18  }
0x9c: {  	s6 =	simm.s32 $0x0;
	s20 =	sshll.u32 s4, $0x1;
	s4 =	sadd.s32 s21, s2  }
0x9d: {  	[timem:s6], [sflag:s22] =	dma.local [hbm:s4], s20  }
0x9e: {  	_ =	swait.ge [sflag:s22], s20  }
0x9f: {  	s3 =	ssub.s32 $0x0, s20;
	[sflag:s22] =	ssyncset.done $0x0  }
0xa0: {  	[sflag:s22] =	ssyncadd.s32 s3;
	_ =	sdelay $0x1  }
0xa1: {  	s23 =	simm.s32 $0x1B8B  }
0xa2: {  	_ =	swait.ge [sflag:s23], $0x1  }
0xa3: {  	[sflag:s23] =	ssyncset.done $0x0  }
0xa4: {  	s25 =	simm.s32 $0x1B8E;
	s24 =	sld [smem:$0x3FFE];
	[sflag:s23] =	ssyncadd.s32 $0xFFFFFFFF  }
0xa5: {  	s26 =	simm.s32 $execute0_lowered;
	[smem:$0x3FD2] =	sst s25  }
0xa6: {  	s4 =	sshll.u32 s26, $0x1;
	_ =	strace $0x80000046;
	[dreg:$0x1] =	wrdreg $0xFFFFFFFF  }
0xa7: {  	s28 =	simm.s32 $_size_execute0_lowered;
	s2 =	sadd.s32 s2, s4;
	[dreg:$0x0] =	wrdreg $0x0  }
0xa8: {  	s4 =	sshll.u32 s28, $0x1;
	[dreg:$0x2] =	wrdreg s2  }
0xa9: {  	[dreg:$0x3] =	wrdreg s4  }
0xaa: {  	[dreg:$0x4] =	wrdreg $0xC0  }
0xab: {  	_ =	task [dreg:s6], $0x5FFFF  }
0xac: {  	[dreg:$0x1] =	wrdreg $0xFFFFFFFF  }
0xad: {  	[dreg:$0x0] =	wrdreg $0x60  }
0xae: {  	[dreg:$0x2] =	wrdreg s24  }
0xaf: {  	[dreg:$0x3] =	wrdreg $0xBF000  }
0xb0: {  	[dreg:$0x4] =	wrdreg $0x13D800  }
0xb1: {  	[dreg:$0x5] =	wrdreg $0x9  }
0xb2: {  	_ =	task.clear_ibuf [dreg:s6], $0x6FFFF;
	_ =	strace $0x90000046  }
0xb3: {  	s29 =	simm.s32 $0x9;
	_ =	strace $0x80000048  }
0xb4: {  	_ =	swait.ge [sflag:s29], $0x1  }
0xb5: {  	[sflag:s29] =	ssyncadd.s32 $0xFFFFFFFF  }
0xb6: {  	_ =	strace $0x90000048  }
0xb7: {  	_ =	sfence  }
0xb8: {  	s30 =	sld [smem:$0x0];
	_ =	sdelay $0x2  }
0xb9: {  	s31 =	sshll.u32 s1, $0xD;
	s1 =	sshrl.u32 s1, $0x2  }
0xba: {  	s3 =	sand.u32 $0x4000, s31;
	s1 =	sadd.s32 s1, s30  }
0xbb: {  	s0 =	sor.u32 s3, s0;
	s1 =	sshll.u32 s1, $0x11  }
0xbc: {  	s0 =	sor.u32 s1, s0  }
0xbd: {  	s0 =	sadd.s32 $0x8F2B, s0  }
0xbe: {  	[sflag:s0] =	ssyncadd.remote.s32 $0x1  }
0xbf: {  	_ =	sfence.sel $0xFFFF  }
0xc0: {  	[dreg:$0x0] =	wrdreg $0xFFFFFFFF;
	(pc) =	sbr.abs _section_cstart, $3  }
0xc1: {  	[dreg:$0x1] =	wrdreg $0xFFFFFFFF  }
0xc2: {  	_ =	task.clear_ibuf [dreg:s6], $0x2FFFF;
	_ =	strace $0x9FFFFFFF  }
0xc3: {  	(tm) =	ssettm $0x7FFFFFFF  }
tec
execute0_lowered:
.L_overlay_start_1:
0x0: {  	(tag) =	ssettag $0x1  }
0x1: {  	s1 =	rddreg [dreg:$0x0]  }
0x2: {  	s0 =	srdreg.scid;
	s2 =	rddreg [dreg:$0x1]  }
0x3: {  	s18 =	stileid.u32;
	s3 =	rddreg [dreg:$0x2]  }
0x4: {  	s5 =	simm.s32 $0x0;
	s19 =	simm.s32 $0x80;
	s20 =	simm.s32 $0x5000  }
0x5: {  	s21 =	simm.s32 $0x6000;
	s28 =	simm.s32 $0x2;
	s29 =	simm.s32 $0x10E00  }
0x6: {  	s30 =	simm.s32 $0x3;
	s31 =	simm.s32 $0x4;
	s7 =	smul.u32 $0x13C00, s18  }
0x7: {  	s0 =	sand.u32 $0x1, s0;
	[smem:$0x7FF] =	sst s5;
	s9 =	smul.u32 $0x9E00, s18  }
0x8: {  	s5 =	sadd.s32 $0x15000, s1;
	s13 =	sadd.s32 $0x1EE00, s1;
	s11 =	smul.u32 $0x4E00, s18  }
0x9: {  	s15 =	smul.u32 $0x2700, s18;
	p0 =	seq.s32 s18, $0xF;
	s4 =	sshll.u32 s0, $0x4  }
0xa: {  	_ =	strace $0x80000047;
	s6 =	ssub.s32 $0x2, s0;
	s12 =	smul.u32 $0x4E200, s0  }
0xb: {  	s0 =	smul.u32 $0x27100, s0;
	s4 =	sor.u32 s18, s4;
	s8 =	sshrl.u32 s6, $0x1  }
0xc: {  	s23 =	sshrl.u32 s7, $0x2;
	s9 =	sshrl.u32 s9, $0x2;
	s17 =	sadd.s32 s15, s3  }
0xd: {  	s18 =	simm.s32 $0x0;
	s4 =	smul.u32 $0x500, s4;
	s14 =	ssub.s32 s6, s8  }
0xe: {  	s8 =	sadd.s32 s23, s2;
	s24 =	sadd.s32 s11, s12;
	s16 =	sadd.s32 s15, s0  }
0xf: {  	s9 =	sadd.s32 s9, s3;
	s26 =	sshrl.u32 s12, $0x3;
	s0 =	sshrl.u32 s0, $0x3  }
0x10: {  	s15 =	simm.s32 $0x6;
	s25 =	sshrl.u32 s16, $0x3;
	s16 =	sadd.s32 s11, s2  }
0x11: {  	s14 =	smax.u32 s14, $0x1;
	s4 =	sadd.s32 s4, s1;
	s1 =	sadd.s32 $0x32800, s1  }
0x12: {  	s22 =	sadd.s32 $0xB000, s4;
	s4 =	sadd.s32 $0x1000, s4;
	s11 =	sadd.s32 s1, s25  }
0x13: {  	s0 =	sadd.s32 s1, s0;
	s25 =	sshrl.u32 @!p0 s17, $0x3;
	[dreg:$0x4] =	wrdreg s22  }
0x14: {  	s1 =	simm.s32 $0x5;
	s17 =	simm.s32 $0x4F80;
	[dreg:$0x5] =	wrdreg s4  }
0x15: {  	s4 =	sshrl.u32 s24, $0x3;
	s24 =	sshrl.u32 @!p0 s16, $0x3;
	s16 =	simm.s32 $0x4F00  }
0x16: {  	s10 =	sadd.s32 s13, s4;
	s4 =	sadd.s32 s13, s26;
	s13 =	sadd.s32 $0x4920, s0  }
0x17: {  	s0 =	sadd.s32 $0x24900, s3;
	s12 =	sadd.s32 $0x9240, s4;
	s4 =	sadd.s32 $0x49200, s2  }
0x18: {  	v0 =	vimm.f32 $0.0e+00;
	v1 =	vimm.f32 $1.000000000e+00;
	s26 =	simm.s32 $0x1;
	s23 =	sshrl.u32 @p0 s0, $0x3;
	s22 =	sshrl.u32 @p0 s4, $0x3  }
.LBB2_1:
0x19: {  	s0 =	simm.s32 $0x0;
	s4 =	rddreg [dreg:$0x4]  }
0x1a: {  	[tilespmem:s0], [sflag:$0x6] =	stream.linear.gather [hbm4b:s4+s0], $0x2800, $0x38;
	[tilespmem:$0x16500] =	vst v63  }
0x1b: {  	_ =	swait.ge [sflag:s15], $0x2800  }
0x1c: {  	[sflag:s15] =	ssyncset.done $0x0  }
0x1d: {  	s6 =	simm.s32 $0x2800;
	s7 =	rddreg [dreg:$0x5];
	[sflag:s15] =	ssyncadd.s32 $0xFFFFD800  }
0x1e: {  	[tilespmem:s6], [sflag:$0x6] =	stream.linear.gather [hbm4b:s7+s0], $0x2800, $0x38;
	[tilespmem:$0x16500] =	vst v63  }
0x1f: {  	_ =	swait.ge [sflag:s15], $0x2800  }
0x20: {  	[sflag:s15] =	ssyncset.done $0x0  }
0x21: {  	s4 =	simm.s32 $0x0;
	s0 =	simm.s32 $0x80;
	[sflag:s15] =	ssyncadd.s32 $0xFFFFD800  }
.LBB2_2:
0x22: {  	p1 =	sne.s32 s0, $0x13B80;
	[tilespmem:s4+$0x7000] =	vst v0;
	s6 =	smov.u32 s0;
	s0 =	sadd.s32 $0x80, s0  }
.Ltmp0:
0x23: {  	[tilespmem:s4+$0x7010] =	vst v0;
	(pc) =	sbr.rel @p1 .LBB2_2-.Ltmp0, $2  }
0x24: {  	_ =	sdelay $0x2  }
0x25: {  	s4 =	sshra.s32 s6, $0x2  }
0x26: {  	[tilespmem:s4+$0x7000] =	vst v0  }
0x27: {  	[tilespmem:s4+$0x7010] =	vst v0;
	s0 =	simm.s32 $0x40;
	s4 =	simm.s32 $0x0  }
.LBB2_4:
0x28: {  	p1 =	sne.s32 s0, $0x1FC0;
	[tilespmem:s4+$0x10E00] =	vst v1;
	s4 =	smov.u32 s0;
	s0 =	sadd.s32 $0x40, s0  }
.Ltmp1:
0x29: {  	(pc) =	sbr.rel @p1 .LBB2_4-.Ltmp1, $2  }
0x2a: {  	_ =	sdelay $0x2  }
0x2b: {  	s4 =	sshra.s32 s4, $0x2  }
0x2c: {  	[tilespmem:s4+$0x10E00] =	vst v1;
	s0 =	simm.s32 $0x40;
	s4 =	simm.s32 $0x0  }
.LBB2_6:
0x2d: {  	p1 =	sne.s32 s0, $0x9DC0;
	[tilespmem:s4+$0x11600] =	vst v0;
	s4 =	smov.u32 s0;
	s0 =	sadd.s32 $0x40, s0  }
.Ltmp2:
0x2e: {  	(pc) =	sbr.rel @p1 .LBB2_6-.Ltmp2, $2  }
0x2f: {  	_ =	sdelay $0x2  }
0x30: {  	s4 =	sshra.s32 s4, $0x2  }
0x31: {  	[tilespmem:s4+$0x11600] =	vst v0;
	s0 =	simm.s32 $0x7000  }
0x32: {  	[spmem:s8] =	stream.linear.scatter [tilespmem:s0], [sflag:$0x6], $0x4F00, $0x38;
	[tilespmem:$0x16500] =	vst v63  }
0x33: {  	_ =	swait.ge [sflag:s15], $0x4F00  }
0x34: {  	[sflag:s15] =	ssyncset.done $0x0  }
0x35: {  	s7 =	simm.s32 $0x11600;
	[sflag:s15] =	ssyncadd.s32 $0xFFFFB100  }
0x36: {  	[spmem:s9] =	stream.linear.scatter [tilespmem:s7], [sflag:$0x6], $0x2780, $0x38;
	[tilespmem:$0x16500] =	vst v63  }
0x37: {  	_ =	swait.ge [sflag:s15], $0x2780  }
0x38: {  	[sflag:s15] =	ssyncset.done $0x0  }
0x39: {  	[sflag:s15] =	ssyncadd.s32 $0xFFFFD880  }
0x3a: {  	s4 =	simm.s32 $0x0;
	[bflag:$0x0] =	sbarrier.arrive $0xFFFF  }
0x3b: {  	[tilespmem:s20], [sflag:$0x1] =	stream.indirect.gather [hbm4b:s5+s19], $0x20, s4, s19, $0xb8;
	[tilespmem:$0x16500] =	vst v63  }
0x3c: {  	_ = 	snop  }
0x3d: {  	[tilespmem:s21], [sflag:$0x2] =	stream.indirect.gather [hbm4b:s5+s19], $0x20, s19, s19, $0xb8;
	[tilespmem:$0x16500] =	vst v63  }
0x3e: {  	_ =	swait.ge [sflag:s26], $0x1000  }
0x3f: {  	[sflag:s26] =	ssyncset.done $0x0  }
0x40: {  	s6 =	simm.s32 $0x2800;
	[sflag:s26] =	ssyncadd.s32 $0xFFFFF000  }
0x41: {  	[spmem:s2] =	stream.indirect.scatter.add.f32 [tilespmem:s20], [sflag:$0x3], $0x20, s6, s19, $0xb8;
	[tilespmem:$0x16500] =	vst v63  }
0x42: {  	_ =	swait.ge [sflag:s28], $0x1000  }
0x43: {  	[sflag:s28] =	ssyncset.done $0x0  }
0x44: {  	s7 =	simm.s32 $0x2880;
	[sflag:s28] =	ssyncadd.s32 $0xFFFFF000  }
0x45: {  	[spmem:s2] =	stream.indirect.scatter.add.f32 [tilespmem:s21], [sflag:$0x4], $0x20, s7, s19, $0xb8;
	[tilespmem:$0x16500] =	vst v63  }
0x46: {  	_ = 	snop  }
0x47: {  	[spmem:s3] =	stream.indirect.scatter.add.f32 [tilespmem:s29], [sflag:$0x5], $0x10, s6, s19, $0xb8;
	[tilespmem:$0x16500] =	vst v63  }
0x48: {  	_ = 	snop  }
0x49: {  	[spmem:s3] =	stream.indirect.scatter.add.f32 [tilespmem:s29], [sflag:$0x5], $0x10, s7, s19, $0xb8;
	[tilespmem:$0x16500] =	vst v63  }
0x4a: {  	_ =	swait.ge [sflag:s30], $0x1000  }
0x4b: {  	[sflag:s30] =	ssyncset.done $0x0  }
0x4c: {  	s6 =	simm.s32 $0x100;
	[sflag:s30] =	ssyncadd.s32 $0xFFFFF000  }
0x4d: {  	[tilespmem:s20], [sflag:$0x1] =	stream.indirect.gather [hbm4b:s5+s19], $0x20, s6, s19, $0xb8;
	[tilespmem:$0x16500] =	vst v63  }
0x4e: {  	_ =	swait.ge [sflag:s31], $0x1000  }
0x4f: {  	[sflag:s31] =	ssyncset.done $0x0  }
0x50: {  	s7 =	simm.s32 $0x180;
	[sflag:s31] =	ssyncadd.s32 $0xFFFFF000  }
0x51: {  	[tilespmem:s21], [sflag:$0x2] =	stream.indirect.gather [hbm4b:s5+s19], $0x20, s7, s19, $0xb8;
	[tilespmem:$0x16500] =	vst v63  }
0x52: {  	_ =	swait.ge [sflag:s1], $0x800  }
0x53: {  	[sflag:s1] =	ssyncset.done $0x0  }
0x54: {  	[sflag:s1] =	ssyncadd.s32 $0xFFFFF800  }
0x55: {  	_ =	swait.ge [sflag:s1], $0x800  }
0x56: {  	s0 =	simm.s32 $0x400;
	[sflag:s1] =	ssyncset.done $0x0  }
.LBB2_8:
0x57: {  	p1 =	sne.s32 s0, $0x9800  }
0x58: {  	[sflag:s1] =	ssyncadd.s32 $0xFFFFF800;
	s4 =	smov.u32 s0;
	s0 =	sadd.s32 $0x400, s0  }
0x59: {  	_ =	swait.ge [sflag:s26], $0x1000  }
0x5a: {  	s4 =	sshra.s32 s4, $0x2;
	[sflag:s26] =	ssyncset.done $0x0  }
0x5b: {  	s6 =	sadd.s32 $0x2800, s4;
	[sflag:s26] =	ssyncadd.s32 $0xFFFFF000  }
0x5c: {  	[spmem:s2] =	stream.indirect.scatter.add.f32 [tilespmem:s20], [sflag:$0x3], $0x20, s6, s19, $0xb8;
	[tilespmem:$0x16500] =	vst v63  }
0x5d: {  	_ =	swait.ge [sflag:s28], $0x1000  }
0x5e: {  	[sflag:s28] =	ssyncset.done $0x0  }
0x5f: {  	s7 =	sadd.s32 $0x2880, s4;
	[sflag:s28] =	ssyncadd.s32 $0xFFFFF000  }
0x60: {  	[spmem:s2] =	stream.indirect.scatter.add.f32 [tilespmem:s21], [sflag:$0x4], $0x20, s7, s19, $0xb8;
	[tilespmem:$0x16500] =	vst v63  }
0x61: {  	_ = 	snop  }
0x62: {  	[spmem:s3] =	stream.indirect.scatter.add.f32 [tilespmem:s29], [sflag:$0x5], $0x10, s6, s19, $0xb8;
	[tilespmem:$0x16500] =	vst v63  }
0x63: {  	_ = 	snop  }
0x64: {  	[spmem:s3] =	stream.indirect.scatter.add.f32 [tilespmem:s29], [sflag:$0x5], $0x10, s7, s19, $0xb8;
	[tilespmem:$0x16500] =	vst v63  }
0x65: {  	_ =	swait.ge [sflag:s30], $0x1000  }
0x66: {  	[sflag:s30] =	ssyncset.done $0x0  }
0x67: {  	s6 =	sadd.s32 $0x100, s4;
	[sflag:s30] =	ssyncadd.s32 $0xFFFFF000  }
0x68: {  	[tilespmem:s20], [sflag:$0x1] =	stream.indirect.gather [hbm4b:s5+s19], $0x20, s6, s19, $0xb8;
	[tilespmem:$0x16500] =	vst v63  }
0x69: {  	_ =	swait.ge [sflag:s31], $0x1000  }
0x6a: {  	[sflag:s31] =	ssyncset.done $0x0  }
0x6b: {  	s4 =	sadd.s32 $0x180, s4;
	[sflag:s31] =	ssyncadd.s32 $0xFFFFF000  }
0x6c: {  	[tilespmem:s21], [sflag:$0x2] =	stream.indirect.gather [hbm4b:s5+s19], $0x20, s4, s19, $0xb8;
	[tilespmem:$0x16500] =	vst v63  }
.Ltmp3:
0x6d: {  	_ =	swait.ge [sflag:s1], $0x800;
	(pc) =	sbr.rel @p1 .LBB2_8-.Ltmp3, $4  }
0x6e: {  	[sflag:s1] =	ssyncset.done $0x0  }
0x6f: {  	[sflag:s1] =	ssyncadd.s32 $0xFFFFF800  }
0x70: {  	_ =	swait.ge [sflag:s1], $0x800  }
0x71: {  	[sflag:s1] =	ssyncset.done $0x0  }
0x72: {  	[sflag:s1] =	ssyncadd.s32 $0xFFFFF800  }
0x73: {  	_ =	swait.ge [sflag:s26], $0x1000  }
0x74: {  	[sflag:s26] =	ssyncset.done $0x0  }
0x75: {  	[sflag:s26] =	ssyncadd.s32 $0xFFFFF000  }
0x76: {  	[spmem:s2] =	stream.indirect.scatter.add.f32 [tilespmem:s20], [sflag:$0x3], $0x20, s16, s19, $0xb8;
	[tilespmem:$0x16500] =	vst v63  }
0x77: {  	_ =	swait.ge [sflag:s28], $0x1000  }
0x78: {  	[sflag:s28] =	ssyncset.done $0x0  }
0x79: {  	[sflag:s28] =	ssyncadd.s32 $0xFFFFF000  }
0x7a: {  	[spmem:s2] =	stream.indirect.scatter.add.f32 [tilespmem:s21], [sflag:$0x4], $0x20, s17, s19, $0xb8;
	[tilespmem:$0x16500] =	vst v63  }
0x7b: {  	_ = 	snop  }
0x7c: {  	[spmem:s3] =	stream.indirect.scatter.add.f32 [tilespmem:s29], [sflag:$0x5], $0x10, s16, s19, $0xb8;
	[tilespmem:$0x16500] =	vst v63  }
0x7d: {  	_ = 	snop  }
0x7e: {  	[spmem:s3] =	stream.indirect.scatter.add.f32 [tilespmem:s29], [sflag:$0x5], $0x10, s17, s19, $0xb8;
	[tilespmem:$0x16500] =	vst v63  }
0x7f: {  	_ =	swait.ge [sflag:s1], $0x800  }
0x80: {  	[sflag:s1] =	ssyncset.done $0x0  }
0x81: {  	[sflag:s1] =	ssyncadd.s32 $0xFFFFF800  }
0x82: {  	_ =	swait.ge [sflag:s1], $0x800  }
0x83: {  	[sflag:s1] =	ssyncset.done $0x0  }
0x84: {  	[sflag:s1] =	ssyncadd.s32 $0xFFFFF800  }
0x85: {  	_ =	swait.ge [sflag:s30], $0x1000  }
0x86: {  	[sflag:s30] =	ssyncset.done $0x0  }
0x87: {  	[sflag:s30] =	ssyncadd.s32 $0xFFFFF000  }
0x88: {  	_ =	swait.ge [sflag:s31], $0x1000  }
0x89: {  	[sflag:s31] =	ssyncset.done $0x0  }
0x8a: {  	[sflag:s31] =	ssyncadd.s32 $0xFFFFF000  }
0x8b: {  	s0 =	simm.s32 @p0 $0x1FC6;
	s4 =	simm.s32 @p0 $0x6;
	[bflag:$0x0] =	sbarrier.arrive $0xFFFF  }
0x8c: {  	[hbm:s12], [sflag:s0] =	dma.local @p0 [spmem:s22], $0xA00  }
0x8d: {  	_ =	swait.ge @p0 [sflag:s4], $0xA00  }
0x8e: {  	[sflag:s4] =	ssyncset.done @p0 $0x0  }
0x8f: {  	[sflag:s4] =	ssyncadd.s32 @p0 $0xFFFFF600  }
0x90: {  	[hbm:s13], [sflag:s0] =	dma.local @p0 [spmem:s23], $0x500  }
0x91: {  	s0 =	stileid.u32;
	_ =	swait.ge @p0 [sflag:s4], $0x500  }
0x92: {  	s0 =	sshll.u32 @!p0 s0, $0x6;
	[sflag:s4] =	ssyncset.done @p0 $0x0  }
0x93: {  	s0 =	sor.u32 @!p0 $0x1C06, s0;
	[sflag:s4] =	ssyncadd.s32 @p0 $0xFFFFFB00;
	s4 =	simm.s32 @!p0 $0x6  }
0x94: {  	[hbm:s10], [sflag:s0] =	dma.local @!p0 [spmem:s24], $0x9C0  }
0x95: {  	s18 =	sadd.s32 $0x1, s18;
	_ =	swait.ge @!p0 [sflag:s4], $0x9C0  }
0x96: {  	p1 =	sne.s32 s18, s14;
	[sflag:s4] =	ssyncset.done @!p0 $0x0  }
.Ltmp4:
0x97: {  	[sflag:s4] =	ssyncadd.s32 @!p0 $0xFFFFF640;
	(pc) =	sbr.rel @p1 .LBB2_1-.Ltmp4, $4  }
0x98: {  	[hbm:s11], [sflag:s0] =	dma.local @!p0 [spmem:s25], $0x4E0  }
0x99: {  	_ =	swait.ge @!p0 [sflag:s4], $0x4E0  }
0x9a: {  	[sflag:s4] =	ssyncset.done @!p0 $0x0  }
0x9b: {  	[sflag:s4] =	ssyncadd.s32 @!p0 $0xFFFFFB20  }
0x9c: {  	_ =	sfence.sel $0x180000  }
0x9d: {  	[bflag:$0x0] =	sbarrier.arrive $0xFFFF  }
0x9e: {  	_ =	strace $0x90000047  }
0x9f: {  	s0 =	stileid.u32;
	[bflag:$0x2] =	sbarrier.arrive $0xFFFF  }
0xa0: {  	p0 =	sne.s32 s0, $0x0;
	s0 =	rddreg [dreg:$0x3]  }
0xa1: {  	s0 =	sadd.s32 @!p0 $0x100000, s0  }
0xa2: {  	[sflag:s0] =	ssyncadd.tile.s32 @!p0 $0x1;
	_ =	shalt  }
.Lfunc_end2:
_tile_overlayer_lowered:
.L_overlay_start_2:
0xa3: {  	(tag) =	ssettag $0x2  }
0xa4: {  	s0 =	rddreg [dreg:$0x0];
	s2 =	stileid.u32  }
0xa5: {  	s1 =	rddreg [dreg:$0x1];
	p0 =	sne.s32 s2, $0x0  }
0xa6: {  	s3 =	rddreg [dreg:$0x2];
	[bflag:$0x3] =	sbarrier.arrive $0xFFFF;
	s2 =	simm.s32 @!p0 $0x1C06  }
0xa7: {  	[timem:s3], [sflag:s2] =	dma.local @!p0 [hbm:s0], s1  }
0xa8: {  	s0 =	simm.s32 @!p0 $0x6  }
0xa9: {  	_ =	swait.ge @!p0 [sflag:s0], s1  }
0xaa: {  	s1 =	ssub.s32 @!p0 $0x0, s1;
	[sflag:s0] =	ssyncset.done @!p0 $0x0  }
0xab: {  	[sflag:s0] =	ssyncadd.s32 @!p0 s1  }
0xac: {  	[bflag:$0x3] =	sbarrier.arrive $0xFFFF  }
0xad: {  	_ =	shalt  }

</sc_bundles>
